<compile_context>
chip_gen: v7x
topology: tpu7x:2x2x1
jax: 0.10.2.dev20260603
libtpu: 0.0.44.dev20260713+nightly
codegen_flags: <defaults>
</compile_context>

<pallas_src>
import functools

import jax
import jax.numpy as jnp
from jax import lax
from jax.experimental import pallas as pl
from jax.experimental.pallas import tpu as pltpu
from jax.experimental.pallas import tpu_sc as plsc

N = 10000
E = 320000
D = 128
EPS_MSG = 1e-7
EPS_BN = 1e-5

NUM_CORES = 2
NUM_TILES = 16
E_PER_TILE = E // NUM_TILES
CHUNK = 128
NUM_CHUNKS = E_PER_TILE // CHUNK
TAIL = E_PER_TILE - NUM_CHUNKS * CHUNK
ROWS_PER_TILE = 624
ROWS_REM = N - NUM_TILES * ROWS_PER_TILE


def _tables_body(x_ref, t_ref, tbl_ref):
    x = x_ref[...]
    t = t_ref[0]
    m = jnp.maximum(x, 0.0) + EPS_MSG
    logits = m * t
    c = jnp.max(logits, axis=0, keepdims=True)
    ex = jnp.exp(logits - c)
    tbl_ref[0:N, :] = ex
    tbl_ref[N:2 * N, :] = m * ex


def _make_tables(x, t):
    return pl.pallas_call(
        _tables_body,
        out_shape=jax.ShapeDtypeStruct((2 * N, D), jnp.float32),
        in_specs=[
            pl.BlockSpec(memory_space=pltpu.VMEM),
            pl.BlockSpec(memory_space=pltpu.SMEM),
        ],
        out_specs=pl.BlockSpec(memory_space=pltpu.VMEM),
    )(x, t.reshape((1,)))


_SC_MESH = plsc.VectorSubcoreMesh(core_axis_name="c", subcore_axis_name="s")


@functools.partial(
    pl.kernel,
    out_type=[
        jax.ShapeDtypeStruct((N, D), jnp.float32),
        jax.ShapeDtypeStruct((N, D), jnp.float32),
    ],
    mesh=_SC_MESH,
    scratch_types=(
        [pltpu.VMEM((CHUNK,), jnp.int32) for _ in range(3)] +
        [pltpu.VMEM((CHUNK,), jnp.int32) for _ in range(3)] +
        [
            pltpu.VMEM((TAIL,), jnp.int32),
            pltpu.VMEM((TAIL,), jnp.int32),
        ] +
        [pltpu.VMEM((CHUNK, D), jnp.float32) for _ in range(3)] +
        [pltpu.VMEM_SHARED((N, D), jnp.float32)] +
        [pltpu.SemaphoreType.DMA for _ in range(3)] +
        [pltpu.SemaphoreType.DMA for _ in range(3)]
    ),
)
def _sc_scatter(tbl, src_e, dst_e, zeros_hbm, sum_ex, sum_mex,
                si0, si1, si2, di0, di1, di2, src_it, dst_it,
                r0, r1, r2, acc_sh,
                is0, is1, is2, gs0, gs1, gs2):
    src_ib = [si0, si1, si2]
    dst_ib = [di0, di1, di2]
    rows = [r0, r1, r2]
    isems = [is0, is1, is2]
    gsems = [gs0, gs1, gs2]
    c = lax.axis_index("c")
    s = lax.axis_index("s")
    row0 = s * ROWS_PER_TILE
    for j in range(ROWS_PER_TILE // CHUNK):
        pltpu.sync_copy(zeros_hbm, acc_sh.at[pl.ds(row0 + j * CHUNK, CHUNK)])
    _rem0 = ROWS_PER_TILE % CHUNK
    if _rem0:
        pltpu.sync_copy(
            zeros_hbm.at[pl.ds(0, _rem0)],
            acc_sh.at[pl.ds(row0 + ROWS_PER_TILE - _rem0, _rem0)])

    @pl.when(s == 0)
    def _():
        pltpu.sync_copy(zeros_hbm.at[pl.ds(0, ROWS_REM)],
                        acc_sh.at[pl.ds(NUM_TILES * ROWS_PER_TILE, ROWS_REM)])

    plsc.subcore_barrier()
    ebase = s * E_PER_TILE
    tblc = tbl.at[pl.ds(c * N, N)]

    def issue_idx(k, j, sem):
        pltpu.async_copy(src_e.at[pl.ds(ebase + k * CHUNK, CHUNK)],
                         src_ib[j], sem)
        pltpu.async_copy(dst_e.at[pl.ds(ebase + k * CHUNK, CHUNK)],
                         dst_ib[j], sem)

    def wait_idx(k, j, sem):
        pltpu.make_async_copy(src_e.at[pl.ds(ebase + k * CHUNK, CHUNK)],
                              src_ib[j], sem).wait()
        pltpu.make_async_copy(dst_e.at[pl.ds(ebase + k * CHUNK, CHUNK)],
                              dst_ib[j], sem).wait()

    for j in range(3):
        issue_idx(j, j, isems[j])
    for j in range(2):
        wait_idx(j, j, isems[j])
        pltpu.async_copy(tblc.at[src_ib[j]], rows[j], gsems[j])

    def step(i, j):
        pltpu.make_async_copy(tblc.at[src_ib[j]], rows[j], gsems[j]).wait()

        @pl.when(i + 2 < NUM_CHUNKS)
        def _():
            j2 = (j + 2) % 3
            wait_idx(i + 2, j2, isems[j2])
            pltpu.async_copy(tblc.at[src_ib[j2]], rows[j2], gsems[j2])

        pltpu.sync_copy(rows[j], acc_sh.at[dst_ib[j]], add=True)

        @pl.when(i + 3 < NUM_CHUNKS)
        def _():
            issue_idx(i + 3, j, isems[j])

    def body(k, carry):
        i0 = 3 * k
        for j in range(3):
            step(i0 + j, j)
        return carry

    lax.fori_loop(0, NUM_CHUNKS // 3, body, 0)

    toff = ebase + NUM_CHUNKS * CHUNK
    pltpu.sync_copy(src_e.at[pl.ds(toff, TAIL)], src_it)
    pltpu.sync_copy(dst_e.at[pl.ds(toff, TAIL)], dst_it)
    pltpu.async_copy(tblc.at[src_it], r0.at[pl.ds(0, TAIL)], gs0).wait()
    pltpu.sync_copy(r0.at[pl.ds(0, TAIL)], acc_sh.at[dst_it], add=True)
    plsc.subcore_barrier()

    @pl.when(c == 0)
    def _():
        pltpu.sync_copy(acc_sh.at[pl.ds(row0, ROWS_PER_TILE)],
                        sum_ex.at[pl.ds(row0, ROWS_PER_TILE)])

        @pl.when(s == 0)
        def _():
            pltpu.sync_copy(
                acc_sh.at[pl.ds(NUM_TILES * ROWS_PER_TILE, ROWS_REM)],
                sum_ex.at[pl.ds(NUM_TILES * ROWS_PER_TILE, ROWS_REM)])

    @pl.when(c == 1)
    def _():
        pltpu.sync_copy(acc_sh.at[pl.ds(row0, ROWS_PER_TILE)],
                        sum_mex.at[pl.ds(row0, ROWS_PER_TILE)])

        @pl.when(s == 0)
        def _():
            pltpu.sync_copy(
                acc_sh.at[pl.ds(NUM_TILES * ROWS_PER_TILE, ROWS_REM)],
                sum_mex.at[pl.ds(NUM_TILES * ROWS_PER_TILE, ROWS_REM)])


def _mlp_body(x_ref, se_ref, sm_ref, w1_ref, w2_ref, g_ref, b_ref,
              rm_ref, rv_ref, o_ref):
    x = x_ref[...]
    agg = sm_ref[...] / (se_ref[...] + 1e-16)
    out = agg + x
    scale = g_ref[...] * lax.rsqrt(rv_ref[...] + EPS_BN)
    bias = b_ref[...] - rm_ref[...] * scale
    h = jnp.dot(out, w1_ref[...], preferred_element_type=jnp.float32)
    h = jnp.maximum(h * scale + bias, 0.0)
    o_ref[...] = x + jnp.dot(h, w2_ref[...], preferred_element_type=jnp.float32)


def _mlp(x, sum_ex, sum_mex, w1, w2, gamma, beta, rm, rv):
    nb = 2000
    grid = N // nb
    row_spec = pl.BlockSpec((nb, D), lambda i: (i, 0))
    full = lambda shape: pl.BlockSpec(shape, lambda i: (0,) * len(shape))
    h = w1.shape[1]
    return pl.pallas_call(
        _mlp_body,
        grid=(grid,),
        out_shape=jax.ShapeDtypeStruct((N, D), jnp.float32),
        in_specs=[
            row_spec, row_spec, row_spec,
            full((D, h)), full((h, D)),
            full((1, h)), full((1, h)), full((1, h)), full((1, h)),
        ],
        out_specs=row_spec,
    )(x, sum_ex, sum_mex, w1, w2,
      gamma.reshape(1, h), beta.reshape(1, h), rm.reshape(1, h),
      rv.reshape(1, h))


def kernel(x, edge_index, batch, w1, w2, gamma, beta, running_mean,
           running_var, t):
    tbl = _make_tables(x, t)
    zeros = jnp.zeros((CHUNK, D), jnp.float32)
    sum_ex, sum_mex = _sc_scatter(tbl, edge_index[0], edge_index[1], zeros)
    return _mlp(x, sum_ex, sum_mex, w1, w2, gamma, beta, running_mean,
                running_var)

# --- scband reference (transcript-rebuilt; emitter-appended) ---
"""Pipeline reference for scband-graph-transform-44590350467891 (READ-ONLY COPY).

The authoritative reference and input builder live on the scoring server;
editing this copy changes nothing except your own understanding.
"""

import jax, jax.numpy as jnp
import numpy as np

N = 10000
E = 320000
D = 128
H = 256  # GENConv MLP hidden = in_channels * expansion(2), num_layers=2 -> [128, 256, 128]
EPS_MSG = 1e-7
EPS_BN = 1e-5


def setup_inputs(seed: int = 0):
    key = jax.random.key(seed)
    ks = jax.random.split(key, 6)
    x = jax.random.normal(ks[0], (N, D), dtype=jnp.float32)
    edge_index = jax.random.randint(ks[1], (2, E), 0, N, dtype=jnp.int32)
    batch = jnp.zeros((N,), dtype=jnp.int32)
    # GENConv MLP params (Linear layers have bias=False in GENConv)
    w1 = jax.random.normal(ks[2], (D, H), dtype=jnp.float32) * (1.0 / np.sqrt(D))
    w2 = jax.random.normal(ks[3], (H, D), dtype=jnp.float32) * (1.0 / np.sqrt(H))
    gamma = jnp.ones((H,), dtype=jnp.float32)
    beta = jnp.zeros((H,), dtype=jnp.float32)
    running_mean = jnp.zeros((H,), dtype=jnp.float32)
    running_var = jnp.ones((H,), dtype=jnp.float32)
    t = jnp.asarray(1.0, dtype=jnp.float32)  # learnable softmax temperature (learn_t=True, init 1.0)
    return {"x": x, "edge_index": edge_index, "batch": batch, "w1": w1, "w2": w2,
            "gamma": gamma, "beta": beta, "running_mean": running_mean,
            "running_var": running_var, "t": t}


def reference(x, edge_index, batch, w1, w2, gamma, beta, running_mean, running_var, t):
    # DeepGCNLayer(block='res+', norm=None, act=None, dropout=0.1, eval mode):
    #   h = dropout(x) == x  (eval); h = GENConv(h, edge_index); return x + h
    src = edge_index[0]
    dst = edge_index[1]
    # GENConv.message: msg = relu(x_j) + eps
    msg = jax.nn.relu(jnp.take(x, src, axis=0)) + EPS_MSG
    # SoftmaxAggregation (per-dst, per-channel softmax weights), max detached like PyG softmax
    logits = msg * t
    seg_max = jax.ops.segment_max(logits, dst, num_segments=N)
    seg_max = jnp.where(jnp.isfinite(seg_max), seg_max, 0.0)
    seg_max = jax.lax.stop_gradient(seg_max)
    ex = jnp.exp(logits - jnp.take(seg_max, dst, axis=0))
    denom = jax.ops.segment_sum(ex, dst, num_segments=N)
    alpha = ex / (jnp.take(denom, dst, axis=0) + 1e-16)
    agg = jax.ops.segment_sum(msg * alpha, dst, num_segments=N)
    # out = aggr + x_dst, then MLP: Linear(128,256,bias=False) -> BatchNorm1d(eval) -> ReLU -> Linear(256,128,bias=False)
    out = agg + x
    h = out @ w1
    h = (h - running_mean) / jnp.sqrt(running_var + EPS_BN) * gamma + beta
    h = jax.nn.relu(h)
    h = h @ w2
    # res+ residual
    return x + h

if __name__ == "__main__":
    import jax
    _d = setup_inputs()
    print(jax.jit(kernel)(*tuple(_d.values())))

</pallas_src>

<mosaic_0001>
#map = affine_map<(d0, d1) -> (0, 0)>
#map1 = affine_map<(d0, d1) -> (0)>
module attributes {stable_mosaic.version = 14 : i64} {
  func.func @_sc_scatter(%arg0: i32, %arg1: i32, %arg2: memref<20000x128xf32, #tpu.memory_space<hbm>>, %arg3: memref<320000xi32, #tpu.memory_space<hbm>>, %arg4: memref<320000xi32, #tpu.memory_space<hbm>>, %arg5: memref<128x128xf32, #tpu.memory_space<hbm>>, %arg6: memref<10000x128xf32, #tpu.memory_space<hbm>>, %arg7: memref<10000x128xf32, #tpu.memory_space<hbm>>, %arg8: memref<128xi32, #tpu.memory_space<vmem>>, %arg9: memref<128xi32, #tpu.memory_space<vmem>>, %arg10: memref<128xi32, #tpu.memory_space<vmem>>, %arg11: memref<128xi32, #tpu.memory_space<vmem>>, %arg12: memref<128xi32, #tpu.memory_space<vmem>>, %arg13: memref<128xi32, #tpu.memory_space<vmem>>, %arg14: memref<32xi32, #tpu.memory_space<vmem>>, %arg15: memref<32xi32, #tpu.memory_space<vmem>>, %arg16: memref<128x128xf32, #tpu.memory_space<vmem>>, %arg17: memref<128x128xf32, #tpu.memory_space<vmem>>, %arg18: memref<128x128xf32, #tpu.memory_space<vmem>>, %arg19: memref<10000x128xf32, #tpu.memory_space<vmem_shared>>, %arg20: memref<!tpu.dma_semaphore, #tpu.memory_space<semaphore_mem>>, %arg21: memref<!tpu.dma_semaphore, #tpu.memory_space<semaphore_mem>>, %arg22: memref<!tpu.dma_semaphore, #tpu.memory_space<semaphore_mem>>, %arg23: memref<!tpu.dma_semaphore, #tpu.memory_space<semaphore_mem>>, %arg24: memref<!tpu.dma_semaphore, #tpu.memory_space<semaphore_mem>>, %arg25: memref<!tpu.dma_semaphore, #tpu.memory_space<semaphore_mem>>) attributes {dimension_semantics = [#tpu.dimension_semantics<core_parallel>, #tpu.dimension_semantics<subcore_parallel>], iteration_bounds = array<i64: 2, 16>, scalar_prefetch = 0 : i64, scratch_operands = 18 : i64, tpu.core_type = #tpu.core_type<sc_vector_subcore>, window_params = [{transform_indices = #map}, {transform_indices = #map1}, {transform_indices = #map1}, {transform_indices = #map}, {transform_indices = #map}, {transform_indices = #map}]} {
    %mul3A = arith.constant 624 : i32
    %mul3A_0 = arith.muli %arg1, %mul3A : i32
    %add3A = arith.constant 0 : i32
    %add3A_1 = arith.addi %mul3A_0, %add3A : i32
    "tpu.region"() ({
      %run_scoped3A = tpu.sem_alloc : memref<!tpu.dma_semaphore, #tpu.memory_space<semaphore_mem>>
      %dma_start3A_99 = arith.constant 0 : i32
      %dma_start3A_100 = tpu.memref_slice %arg19[%add3A_1, %dma_start3A_99] : memref<10000x128xf32, #tpu.memory_space<vmem_shared>> -> memref<128x128xf32, #tpu.memory_space<vmem_shared>>
      tpu.enqueue_dma source(%arg5 : memref<128x128xf32, #tpu.memory_space<hbm>>) target(%dma_start3A_100 : memref<128x128xf32, #tpu.memory_space<vmem_shared>>) target_semaphore(%run_scoped3A : memref<!tpu.dma_semaphore, #tpu.memory_space<semaphore_mem>>)
      %dma_wait3A_101 = arith.constant 0 : i32
      %dma_wait3A_102 = tpu.memref_slice %arg19[%add3A_1, %dma_wait3A_101] : memref<10000x128xf32, #tpu.memory_space<vmem_shared>> -> memref<128x128xf32, #tpu.memory_space<vmem_shared>>
      tpu.wait_dma2 semaphore(%run_scoped3A : memref<!tpu.dma_semaphore, #tpu.memory_space<semaphore_mem>>) src(%arg5 : memref<128x128xf32, #tpu.memory_space<hbm>>) dst(%dma_wait3A_102 : memref<128x128xf32, #tpu.memory_space<vmem_shared>>)
      tpu.yield
    }) : () -> ()
    %add3A_2 = arith.constant 128 : i32
    %add3A_3 = arith.addi %mul3A_0, %add3A_2 : i32
    "tpu.region"() ({
      %run_scoped3A = tpu.sem_alloc : memref<!tpu.dma_semaphore, #tpu.memory_space<semaphore_mem>>
      %dma_start3A_99 = arith.constant 0 : i32
      %dma_start3A_100 = tpu.memref_slice %arg19[%add3A_3, %dma_start3A_99] : memref<10000x128xf32, #tpu.memory_space<vmem_shared>> -> memref<128x128xf32, #tpu.memory_space<vmem_shared>>
      tpu.enqueue_dma source(%arg5 : memref<128x128xf32, #tpu.memory_space<hbm>>) target(%dma_start3A_100 : memref<128x128xf32, #tpu.memory_space<vmem_shared>>) target_semaphore(%run_scoped3A : memref<!tpu.dma_semaphore, #tpu.memory_space<semaphore_mem>>)
      %dma_wait3A_101 = arith.constant 0 : i32
      %dma_wait3A_102 = tpu.memref_slice %arg19[%add3A_3, %dma_wait3A_101] : memref<10000x128xf32, #tpu.memory_space<vmem_shared>> -> memref<128x128xf32, #tpu.memory_space<vmem_shared>>
      tpu.wait_dma2 semaphore(%run_scoped3A : memref<!tpu.dma_semaphore, #tpu.memory_space<semaphore_mem>>) src(%arg5 : memref<128x128xf32, #tpu.memory_space<hbm>>) dst(%dma_wait3A_102 : memref<128x128xf32, #tpu.memory_space<vmem_shared>>)
      tpu.yield
    }) : () -> ()
    %add3A_4 = arith.constant 256 : i32
    %add3A_5 = arith.addi %mul3A_0, %add3A_4 : i32
    "tpu.region"() ({
      %run_scoped3A = tpu.sem_alloc : memref<!tpu.dma_semaphore, #tpu.memory_space<semaphore_mem>>
      %dma_start3A_99 = arith.constant 0 : i32
      %dma_start3A_100 = tpu.memref_slice %arg19[%add3A_5, %dma_start3A_99] : memref<10000x128xf32, #tpu.memory_space<vmem_shared>> -> memref<128x128xf32, #tpu.memory_space<vmem_shared>>
      tpu.enqueue_dma source(%arg5 : memref<128x128xf32, #tpu.memory_space<hbm>>) target(%dma_start3A_100 : memref<128x128xf32, #tpu.memory_space<vmem_shared>>) target_semaphore(%run_scoped3A : memref<!tpu.dma_semaphore, #tpu.memory_space<semaphore_mem>>)
      %dma_wait3A_101 = arith.constant 0 : i32
      %dma_wait3A_102 = tpu.memref_slice %arg19[%add3A_5, %dma_wait3A_101] : memref<10000x128xf32, #tpu.memory_space<vmem_shared>> -> memref<128x128xf32, #tpu.memory_space<vmem_shared>>
      tpu.wait_dma2 semaphore(%run_scoped3A : memref<!tpu.dma_semaphore, #tpu.memory_space<semaphore_mem>>) src(%arg5 : memref<128x128xf32, #tpu.memory_space<hbm>>) dst(%dma_wait3A_102 : memref<128x128xf32, #tpu.memory_space<vmem_shared>>)
      tpu.yield
    }) : () -> ()
    %add3A_6 = arith.constant 384 : i32
    %add3A_7 = arith.addi %mul3A_0, %add3A_6 : i32
    "tpu.region"() ({
      %run_scoped3A = tpu.sem_alloc : memref<!tpu.dma_semaphore, #tpu.memory_space<semaphore_mem>>
      %dma_start3A_99 = arith.constant 0 : i32
      %dma_start3A_100 = tpu.memref_slice %arg19[%add3A_7, %dma_start3A_99] : memref<10000x128xf32, #tpu.memory_space<vmem_shared>> -> memref<128x128xf32, #tpu.memory_space<vmem_shared>>
      tpu.enqueue_dma source(%arg5 : memref<128x128xf32, #tpu.memory_space<hbm>>) target(%dma_start3A_100 : memref<128x128xf32, #tpu.memory_space<vmem_shared>>) target_semaphore(%run_scoped3A : memref<!tpu.dma_semaphore, #tpu.memory_space<semaphore_mem>>)
      %dma_wait3A_101 = arith.constant 0 : i32
      %dma_wait3A_102 = tpu.memref_slice %arg19[%add3A_7, %dma_wait3A_101] : memref<10000x128xf32, #tpu.memory_space<vmem_shared>> -> memref<128x128xf32, #tpu.memory_space<vmem_shared>>
      tpu.wait_dma2 semaphore(%run_scoped3A : memref<!tpu.dma_semaphore, #tpu.memory_space<semaphore_mem>>) src(%arg5 : memref<128x128xf32, #tpu.memory_space<hbm>>) dst(%dma_wait3A_102 : memref<128x128xf32, #tpu.memory_space<vmem_shared>>)
      tpu.yield
    }) : () -> ()
    %add3A_8 = arith.constant 624 : i32
    %add3A_9 = arith.addi %mul3A_0, %add3A_8 : i32
    %sub3A = arith.constant 112 : i32
    %sub3A_10 = arith.subi %add3A_9, %sub3A : i32
    "tpu.region"() ({
      %run_scoped3A = tpu.sem_alloc : memref<!tpu.dma_semaphore, #tpu.memory_space<semaphore_mem>>
      %dma_start3A_99 = arith.constant 0 : i32
      %dma_start3A_100 = tpu.memref_slice %arg19[%sub3A_10, %dma_start3A_99] : memref<10000x128xf32, #tpu.memory_space<vmem_shared>> -> memref<112x128xf32, #tpu.memory_space<vmem_shared>>
      %dma_start3A_101 = arith.constant 0 : i32
      %dma_start3A_102 = arith.constant 0 : i32
      %dma_start3A_103 = tpu.memref_slice %arg5[%dma_start3A_101, %dma_start3A_102] : memref<128x128xf32, #tpu.memory_space<hbm>> -> memref<112x128xf32, #tpu.memory_space<hbm>>
      tpu.enqueue_dma source(%dma_start3A_103 : memref<112x128xf32, #tpu.memory_space<hbm>>) target(%dma_start3A_100 : memref<112x128xf32, #tpu.memory_space<vmem_shared>>) target_semaphore(%run_scoped3A : memref<!tpu.dma_semaphore, #tpu.memory_space<semaphore_mem>>)
      %dma_wait3A_104 = arith.constant 0 : i32
      %dma_wait3A_105 = tpu.memref_slice %arg19[%sub3A_10, %dma_wait3A_104] : memref<10000x128xf32, #tpu.memory_space<vmem_shared>> -> memref<112x128xf32, #tpu.memory_space<vmem_shared>>
      %dma_wait3A_106 = arith.constant 0 : i32
      %dma_wait3A_107 = arith.constant 0 : i32
      %dma_wait3A_108 = tpu.memref_slice %arg5[%dma_wait3A_106, %dma_wait3A_107] : memref<128x128xf32, #tpu.memory_space<hbm>> -> memref<112x128xf32, #tpu.memory_space<hbm>>
      tpu.wait_dma2 semaphore(%run_scoped3A : memref<!tpu.dma_semaphore, #tpu.memory_space<semaphore_mem>>) src(%dma_wait3A_108 : memref<112x128xf32, #tpu.memory_space<hbm>>) dst(%dma_wait3A_105 : memref<112x128xf32, #tpu.memory_space<vmem_shared>>)
      tpu.yield
    }) : () -> ()
    %eq3A = arith.constant 0 : i32
    %eq3A_11 = arith.cmpi eq, %arg1, %eq3A : i32
    %convert_element_type3A = arith.extui %eq3A_11 : i1 to i32
    %cond3A = arith.constant 0 : i32
    %cond3A_12 = arith.cmpi ne, %convert_element_type3A, %cond3A : i32
    scf.if %cond3A_12 {
      "tpu.region"() ({
        %run_scoped3A = tpu.sem_alloc : memref<!tpu.dma_semaphore, #tpu.memory_space<semaphore_mem>>
        %dma_start3A_99 = arith.constant 9984 : i32
        %dma_start3A_100 = arith.constant 0 : i32
        %dma_start3A_101 = tpu.memref_slice %arg19[%dma_start3A_99, %dma_start3A_100] : memref<10000x128xf32, #tpu.memory_space<vmem_shared>> -> memref<16x128xf32, #tpu.memory_space<vmem_shared>>
        %dma_start3A_102 = arith.constant 0 : i32
        %dma_start3A_103 = arith.constant 0 : i32
        %dma_start3A_104 = tpu.memref_slice %arg5[%dma_start3A_102, %dma_start3A_103] : memref<128x128xf32, #tpu.memory_space<hbm>> -> memref<16x128xf32, #tpu.memory_space<hbm>>
        tpu.enqueue_dma source(%dma_start3A_104 : memref<16x128xf32, #tpu.memory_space<hbm>>) target(%dma_start3A_101 : memref<16x128xf32, #tpu.memory_space<vmem_shared>>) target_semaphore(%run_scoped3A : memref<!tpu.dma_semaphore, #tpu.memory_space<semaphore_mem>>)
        %dma_wait3A_105 = arith.constant 9984 : i32
        %dma_wait3A_106 = arith.constant 0 : i32
        %dma_wait3A_107 = tpu.memref_slice %arg19[%dma_wait3A_105, %dma_wait3A_106] : memref<10000x128xf32, #tpu.memory_space<vmem_shared>> -> memref<16x128xf32, #tpu.memory_space<vmem_shared>>
        %dma_wait3A_108 = arith.constant 0 : i32
        %dma_wait3A_109 = arith.constant 0 : i32
        %dma_wait3A_110 = tpu.memref_slice %arg5[%dma_wait3A_108, %dma_wait3A_109] : memref<128x128xf32, #tpu.memory_space<hbm>> -> memref<16x128xf32, #tpu.memory_space<hbm>>
        tpu.wait_dma2 semaphore(%run_scoped3A : memref<!tpu.dma_semaphore, #tpu.memory_space<semaphore_mem>>) src(%dma_wait3A_110 : memref<16x128xf32, #tpu.memory_space<hbm>>) dst(%dma_wait3A_107 : memref<16x128xf32, #tpu.memory_space<vmem_shared>>)
        tpu.yield
      }) : () -> ()
    } else {
    }
    %barrier3A = arith.constant 0 : index
    tpu.barrier barrier_id(%barrier3A)
    %mul3A_13 = arith.constant 20000 : i32
    %mul3A_14 = arith.muli %arg1, %mul3A_13 : i32
    %mul3A_15 = arith.constant 10000 : i32
    %mul3A_16 = arith.muli %arg0, %mul3A_15 : i32
    %add3A_17 = arith.constant 0 : i32
    %add3A_18 = arith.addi %mul3A_14, %add3A_17 : i32
    %dma_start3A = tpu.memref_slice %arg3[%add3A_18] : memref<320000xi32, #tpu.memory_space<hbm>> -> memref<128xi32, #tpu.memory_space<hbm>>
    %dma_start3A_19 = tpu.memref_slice %arg3[%add3A_18] : memref<320000xi32, #tpu.memory_space<hbm>> -> memref<128xi32, #tpu.memory_space<hbm>>
    tpu.enqueue_dma source(%dma_start3A_19 : memref<128xi32, #tpu.memory_space<hbm>>) target(%arg8 : memref<128xi32, #tpu.memory_space<vmem>>) target_semaphore(%arg20 : memref<!tpu.dma_semaphore, #tpu.memory_space<semaphore_mem>>)
    %add3A_20 = arith.constant 0 : i32
    %add3A_21 = arith.addi %mul3A_14, %add3A_20 : i32
    %dma_start3A_22 = tpu.memref_slice %arg4[%add3A_21] : memref<320000xi32, #tpu.memory_space<hbm>> -> memref<128xi32, #tpu.memory_space<hbm>>
    %dma_start3A_23 = tpu.memref_slice %arg4[%add3A_21] : memref<320000xi32, #tpu.memory_space<hbm>> -> memref<128xi32, #tpu.memory_space<hbm>>
    tpu.enqueue_dma source(%dma_start3A_23 : memref<128xi32, #tpu.memory_space<hbm>>) target(%arg11 : memref<128xi32, #tpu.memory_space<vmem>>) target_semaphore(%arg20 : memref<!tpu.dma_semaphore, #tpu.memory_space<semaphore_mem>>)
    %add3A_24 = arith.constant 128 : i32
    %add3A_25 = arith.addi %mul3A_14, %add3A_24 : i32
    %dma_start3A_26 = tpu.memref_slice %arg3[%add3A_25] : memref<320000xi32, #tpu.memory_space<hbm>> -> memref<128xi32, #tpu.memory_space<hbm>>
    %dma_start3A_27 = tpu.memref_slice %arg3[%add3A_25] : memref<320000xi32, #tpu.memory_space<hbm>> -> memref<128xi32, #tpu.memory_space<hbm>>
    tpu.enqueue_dma source(%dma_start3A_27 : memref<128xi32, #tpu.memory_space<hbm>>) target(%arg9 : memref<128xi32, #tpu.memory_space<vmem>>) target_semaphore(%arg21 : memref<!tpu.dma_semaphore, #tpu.memory_space<semaphore_mem>>)
    %add3A_28 = arith.constant 128 : i32
    %add3A_29 = arith.addi %mul3A_14, %add3A_28 : i32
    %dma_start3A_30 = tpu.memref_slice %arg4[%add3A_29] : memref<320000xi32, #tpu.memory_space<hbm>> -> memref<128xi32, #tpu.memory_space<hbm>>
    %dma_start3A_31 = tpu.memref_slice %arg4[%add3A_29] : memref<320000xi32, #tpu.memory_space<hbm>> -> memref<128xi32, #tpu.memory_space<hbm>>
    tpu.enqueue_dma source(%dma_start3A_31 : memref<128xi32, #tpu.memory_space<hbm>>) target(%arg12 : memref<128xi32, #tpu.memory_space<vmem>>) target_semaphore(%arg21 : memref<!tpu.dma_semaphore, #tpu.memory_space<semaphore_mem>>)
    %add3A_32 = arith.constant 256 : i32
    %add3A_33 = arith.addi %mul3A_14, %add3A_32 : i32
    %dma_start3A_34 = tpu.memref_slice %arg3[%add3A_33] : memref<320000xi32, #tpu.memory_space<hbm>> -> memref<128xi32, #tpu.memory_space<hbm>>
    %dma_start3A_35 = tpu.memref_slice %arg3[%add3A_33] : memref<320000xi32, #tpu.memory_space<hbm>> -> memref<128xi32, #tpu.memory_space<hbm>>
    tpu.enqueue_dma source(%dma_start3A_35 : memref<128xi32, #tpu.memory_space<hbm>>) target(%arg10 : memref<128xi32, #tpu.memory_space<vmem>>) target_semaphore(%arg22 : memref<!tpu.dma_semaphore, #tpu.memory_space<semaphore_mem>>)
    %add3A_36 = arith.constant 256 : i32
    %add3A_37 = arith.addi %mul3A_14, %add3A_36 : i32
    %dma_start3A_38 = tpu.memref_slice %arg4[%add3A_37] : memref<320000xi32, #tpu.memory_space<hbm>> -> memref<128xi32, #tpu.memory_space<hbm>>
    %dma_start3A_39 = tpu.memref_slice %arg4[%add3A_37] : memref<320000xi32, #tpu.memory_space<hbm>> -> memref<128xi32, #tpu.memory_space<hbm>>
    tpu.enqueue_dma source(%dma_start3A_39 : memref<128xi32, #tpu.memory_space<hbm>>) target(%arg13 : memref<128xi32, #tpu.memory_space<vmem>>) target_semaphore(%arg22 : memref<!tpu.dma_semaphore, #tpu.memory_space<semaphore_mem>>)
    %add3A_40 = arith.constant 0 : i32
    %add3A_41 = arith.addi %mul3A_14, %add3A_40 : i32
    %dma_wait3A = tpu.memref_slice %arg3[%add3A_41] : memref<320000xi32, #tpu.memory_space<hbm>> -> memref<128xi32, #tpu.memory_space<hbm>>
    %dma_wait3A_42 = tpu.memref_slice %arg3[%add3A_41] : memref<320000xi32, #tpu.memory_space<hbm>> -> memref<128xi32, #tpu.memory_space<hbm>>
    tpu.wait_dma2 semaphore(%arg20 : memref<!tpu.dma_semaphore, #tpu.memory_space<semaphore_mem>>) src(%dma_wait3A_42 : memref<128xi32, #tpu.memory_space<hbm>>) dst(%arg8 : memref<128xi32, #tpu.memory_space<vmem>>)
    %add3A_43 = arith.constant 0 : i32
    %add3A_44 = arith.addi %mul3A_14, %add3A_43 : i32
    %dma_wait3A_45 = tpu.memref_slice %arg4[%add3A_44] : memref<320000xi32, #tpu.memory_space<hbm>> -> memref<128xi32, #tpu.memory_space<hbm>>
    %dma_wait3A_46 = tpu.memref_slice %arg4[%add3A_44] : memref<320000xi32, #tpu.memory_space<hbm>> -> memref<128xi32, #tpu.memory_space<hbm>>
    tpu.wait_dma2 semaphore(%arg20 : memref<!tpu.dma_semaphore, #tpu.memory_space<semaphore_mem>>) src(%dma_wait3A_46 : memref<128xi32, #tpu.memory_space<hbm>>) dst(%arg11 : memref<128xi32, #tpu.memory_space<vmem>>)
    %dma_start3A_47 = arith.constant 0 : i32
    %dma_start3A_48 = tpu.memref_slice %arg2[%mul3A_16, %dma_start3A_47] : memref<20000x128xf32, #tpu.memory_space<hbm>> -> memref<10000x128xf32, #tpu.memory_space<hbm>>
    %dma_start3A_49 = arith.constant 0 : i32
    %dma_start3A_50 = arith.constant 0 : i32
    %dma_start3A_51 = tpu.memref_slice %dma_start3A_48[%dma_start3A_49, %dma_start3A_50] : memref<10000x128xf32, #tpu.memory_space<hbm>> -> memref<10000x128xf32, #tpu.memory_space<hbm>>
    tpu.enqueue_indirect_dma source(%dma_start3A_51 : memref<10000x128xf32, #tpu.memory_space<hbm>>) target(%arg16 : memref<128x128xf32, #tpu.memory_space<vmem>>) offsets(%arg8 : memref<128xi32, #tpu.memory_space<vmem>>) semaphore(%arg23 : memref<!tpu.dma_semaphore, #tpu.memory_space<semaphore_mem>>)
    %add3A_52 = arith.constant 128 : i32
    %add3A_53 = arith.addi %mul3A_14, %add3A_52 : i32
    %dma_wait3A_54 = tpu.memref_slice %arg3[%add3A_53] : memref<320000xi32, #tpu.memory_space<hbm>> -> memref<128xi32, #tpu.memory_space<hbm>>
    %dma_wait3A_55 = tpu.memref_slice %arg3[%add3A_53] : memref<320000xi32, #tpu.memory_space<hbm>> -> memref<128xi32, #tpu.memory_space<hbm>>
    tpu.wait_dma2 semaphore(%arg21 : memref<!tpu.dma_semaphore, #tpu.memory_space<semaphore_mem>>) src(%dma_wait3A_55 : memref<128xi32, #tpu.memory_space<hbm>>) dst(%arg9 : memref<128xi32, #tpu.memory_space<vmem>>)
    %add3A_56 = arith.constant 128 : i32
    %add3A_57 = arith.addi %mul3A_14, %add3A_56 : i32
    %dma_wait3A_58 = tpu.memref_slice %arg4[%add3A_57] : memref<320000xi32, #tpu.memory_space<hbm>> -> memref<128xi32, #tpu.memory_space<hbm>>
    %dma_wait3A_59 = tpu.memref_slice %arg4[%add3A_57] : memref<320000xi32, #tpu.memory_space<hbm>> -> memref<128xi32, #tpu.memory_space<hbm>>
    tpu.wait_dma2 semaphore(%arg21 : memref<!tpu.dma_semaphore, #tpu.memory_space<semaphore_mem>>) src(%dma_wait3A_59 : memref<128xi32, #tpu.memory_space<hbm>>) dst(%arg12 : memref<128xi32, #tpu.memory_space<vmem>>)
    %dma_start3A_60 = arith.constant 0 : i32
    %dma_start3A_61 = tpu.memref_slice %arg2[%mul3A_16, %dma_start3A_60] : memref<20000x128xf32, #tpu.memory_space<hbm>> -> memref<10000x128xf32, #tpu.memory_space<hbm>>
    %dma_start3A_62 = arith.constant 0 : i32
    %dma_start3A_63 = arith.constant 0 : i32
    %dma_start3A_64 = tpu.memref_slice %dma_start3A_61[%dma_start3A_62, %dma_start3A_63] : memref<10000x128xf32, #tpu.memory_space<hbm>> -> memref<10000x128xf32, #tpu.memory_space<hbm>>
    tpu.enqueue_indirect_dma source(%dma_start3A_64 : memref<10000x128xf32, #tpu.memory_space<hbm>>) target(%arg17 : memref<128x128xf32, #tpu.memory_space<vmem>>) offsets(%arg9 : memref<128xi32, #tpu.memory_space<vmem>>) semaphore(%arg24 : memref<!tpu.dma_semaphore, #tpu.memory_space<semaphore_mem>>)
    %scan3A = arith.constant 0 : i32
    %scan3A_65 = arith.constant 0 : i32
    %scan3A_66 = arith.constant 52 : i32
    %scan3A_67 = arith.addi %scan3A_65, %scan3A_66 : i32
    %scan3A_68 = arith.constant 1 : i32
    scf.for %scan3A_99 = %scan3A_65 to %scan3A_67 step %scan3A_68  : i32 {
      %mul3A_100 = arith.constant 3 : i32
      %mul3A_101 = arith.muli %mul3A_100, %scan3A_99 : i32
      %add3A_102 = arith.constant 0 : i32
      %add3A_103 = arith.addi %mul3A_101, %add3A_102 : i32
      %dma_wait3A_104 = arith.constant 0 : i32
      %dma_wait3A_105 = tpu.memref_slice %arg2[%mul3A_16, %dma_wait3A_104] : memref<20000x128xf32, #tpu.memory_space<hbm>> -> memref<10000x128xf32, #tpu.memory_space<hbm>>
      %dma_wait3A_106 = arith.constant 0 : i32
      %dma_wait3A_107 = arith.constant 0 : i32
      %dma_wait3A_108 = tpu.memref_slice %dma_wait3A_105[%dma_wait3A_106, %dma_wait3A_107] : memref<10000x128xf32, #tpu.memory_space<hbm>> -> memref<10000x128xf32, #tpu.memory_space<hbm>>
      tpu.wait_indirect_dma semaphore(%arg23 : memref<!tpu.dma_semaphore, #tpu.memory_space<semaphore_mem>>) src(%dma_wait3A_108 : memref<10000x128xf32, #tpu.memory_space<hbm>>) dst(%arg16 : memref<128x128xf32, #tpu.memory_space<vmem>>)
      %add3A_109 = arith.constant 2 : i32
      %add3A_110 = arith.addi %add3A_103, %add3A_109 : i32
      %lt3A = arith.constant 156 : i32
      %lt3A_111 = arith.cmpi slt, %add3A_110, %lt3A : i32
      %convert_element_type3A_112 = arith.extui %lt3A_111 : i1 to i32
      %cond3A_113 = arith.constant 0 : i32
      %cond3A_114 = arith.cmpi ne, %convert_element_type3A_112, %cond3A_113 : i32
      scf.if %cond3A_114 {
        %add3A_164 = arith.constant 2 : i32
        %add3A_165 = arith.addi %add3A_103, %add3A_164 : i32
        %mul3A_166 = arith.constant 128 : i32
        %mul3A_167 = arith.muli %add3A_165, %mul3A_166 : i32
        %add3A_168 = arith.addi %mul3A_14, %mul3A_167 : i32
        %dma_wait3A_169 = tpu.memref_slice %arg3[%add3A_168] : memref<320000xi32, #tpu.memory_space<hbm>> -> memref<128xi32, #tpu.memory_space<hbm>>
        %dma_wait3A_170 = tpu.memref_slice %arg3[%add3A_168] : memref<320000xi32, #tpu.memory_space<hbm>> -> memref<128xi32, #tpu.memory_space<hbm>>
        tpu.wait_dma2 semaphore(%arg22 : memref<!tpu.dma_semaphore, #tpu.memory_space<semaphore_mem>>) src(%dma_wait3A_170 : memref<128xi32, #tpu.memory_space<hbm>>) dst(%arg10 : memref<128xi32, #tpu.memory_space<vmem>>)
        %mul3A_171 = arith.constant 128 : i32
        %mul3A_172 = arith.muli %add3A_165, %mul3A_171 : i32
        %add3A_173 = arith.addi %mul3A_14, %mul3A_172 : i32
        %dma_wait3A_174 = tpu.memref_slice %arg4[%add3A_173] : memref<320000xi32, #tpu.memory_space<hbm>> -> memref<128xi32, #tpu.memory_space<hbm>>
        %dma_wait3A_175 = tpu.memref_slice %arg4[%add3A_173] : memref<320000xi32, #tpu.memory_space<hbm>> -> memref<128xi32, #tpu.memory_space<hbm>>
        tpu.wait_dma2 semaphore(%arg22 : memref<!tpu.dma_semaphore, #tpu.memory_space<semaphore_mem>>) src(%dma_wait3A_175 : memref<128xi32, #tpu.memory_space<hbm>>) dst(%arg13 : memref<128xi32, #tpu.memory_space<vmem>>)
        %dma_start3A_176 = arith.constant 0 : i32
        %dma_start3A_177 = tpu.memref_slice %arg2[%mul3A_16, %dma_start3A_176] : memref<20000x128xf32, #tpu.memory_space<hbm>> -> memref<10000x128xf32, #tpu.memory_space<hbm>>
        %dma_start3A_178 = arith.constant 0 : i32
        %dma_start3A_179 = arith.constant 0 : i32
        %dma_start3A_180 = tpu.memref_slice %dma_start3A_177[%dma_start3A_178, %dma_start3A_179] : memref<10000x128xf32, #tpu.memory_space<hbm>> -> memref<10000x128xf32, #tpu.memory_space<hbm>>
        tpu.enqueue_indirect_dma source(%dma_start3A_180 : memref<10000x128xf32, #tpu.memory_space<hbm>>) target(%arg18 : memref<128x128xf32, #tpu.memory_space<vmem>>) offsets(%arg10 : memref<128xi32, #tpu.memory_space<vmem>>) semaphore(%arg25 : memref<!tpu.dma_semaphore, #tpu.memory_space<semaphore_mem>>)
      } else {
      }
      "tpu.region"() ({
        %run_scoped3A = tpu.sem_alloc : memref<!tpu.dma_semaphore, #tpu.memory_space<semaphore_mem>>
        %dma_start3A_164 = arith.constant 0 : i32
        %dma_start3A_165 = arith.constant 0 : i32
        %dma_start3A_166 = tpu.memref_slice %arg19[%dma_start3A_164, %dma_start3A_165] : memref<10000x128xf32, #tpu.memory_space<vmem_shared>> -> memref<10000x128xf32, #tpu.memory_space<vmem_shared>>
        tpu.enqueue_indirect_dma source(%arg16 : memref<128x128xf32, #tpu.memory_space<vmem>>) target(%dma_start3A_166 : memref<10000x128xf32, #tpu.memory_space<vmem_shared>>) offsets(%arg11 : memref<128xi32, #tpu.memory_space<vmem>>) semaphore(%run_scoped3A : memref<!tpu.dma_semaphore, #tpu.memory_space<semaphore_mem>>) {add = true}
        %dma_wait3A_167 = arith.constant 0 : i32
        %dma_wait3A_168 = arith.constant 0 : i32
        %dma_wait3A_169 = tpu.memref_slice %arg19[%dma_wait3A_167, %dma_wait3A_168] : memref<10000x128xf32, #tpu.memory_space<vmem_shared>> -> memref<10000x128xf32, #tpu.memory_space<vmem_shared>>
        tpu.wait_indirect_dma semaphore(%run_scoped3A : memref<!tpu.dma_semaphore, #tpu.memory_space<semaphore_mem>>) src(%arg16 : memref<128x128xf32, #tpu.memory_space<vmem>>) dst(%dma_wait3A_169 : memref<10000x128xf32, #tpu.memory_space<vmem_shared>>)
        tpu.yield
      }) : () -> ()
      %add3A_115 = arith.constant 3 : i32
      %add3A_116 = arith.addi %add3A_103, %add3A_115 : i32
      %lt3A_117 = arith.constant 156 : i32
      %lt3A_118 = arith.cmpi slt, %add3A_116, %lt3A_117 : i32
      %convert_element_type3A_119 = arith.extui %lt3A_118 : i1 to i32
      %cond3A_120 = arith.constant 0 : i32
      %cond3A_121 = arith.cmpi ne, %convert_element_type3A_119, %cond3A_120 : i32
      scf.if %cond3A_121 {
        %add3A_164 = arith.constant 3 : i32
        %add3A_165 = arith.addi %add3A_103, %add3A_164 : i32
        %mul3A_166 = arith.constant 128 : i32
        %mul3A_167 = arith.muli %add3A_165, %mul3A_166 : i32
        %add3A_168 = arith.addi %mul3A_14, %mul3A_167 : i32
        %dma_start3A_169 = tpu.memref_slice %arg3[%add3A_168] : memref<320000xi32, #tpu.memory_space<hbm>> -> memref<128xi32, #tpu.memory_space<hbm>>
        %dma_start3A_170 = tpu.memref_slice %arg3[%add3A_168] : memref<320000xi32, #tpu.memory_space<hbm>> -> memref<128xi32, #tpu.memory_space<hbm>>
        tpu.enqueue_dma source(%dma_start3A_170 : memref<128xi32, #tpu.memory_space<hbm>>) target(%arg8 : memref<128xi32, #tpu.memory_space<vmem>>) target_semaphore(%arg20 : memref<!tpu.dma_semaphore, #tpu.memory_space<semaphore_mem>>)
        %mul3A_171 = arith.constant 128 : i32
        %mul3A_172 = arith.muli %add3A_165, %mul3A_171 : i32
        %add3A_173 = arith.addi %mul3A_14, %mul3A_172 : i32
        %dma_start3A_174 = tpu.memref_slice %arg4[%add3A_173] : memref<320000xi32, #tpu.memory_space<hbm>> -> memref<128xi32, #tpu.memory_space<hbm>>
        %dma_start3A_175 = tpu.memref_slice %arg4[%add3A_173] : memref<320000xi32, #tpu.memory_space<hbm>> -> memref<128xi32, #tpu.memory_space<hbm>>
        tpu.enqueue_dma source(%dma_start3A_175 : memref<128xi32, #tpu.memory_space<hbm>>) target(%arg11 : memref<128xi32, #tpu.memory_space<vmem>>) target_semaphore(%arg20 : memref<!tpu.dma_semaphore, #tpu.memory_space<semaphore_mem>>)
      } else {
      }
      %add3A_122 = arith.constant 1 : i32
      %add3A_123 = arith.addi %mul3A_101, %add3A_122 : i32
      %dma_wait3A_124 = arith.constant 0 : i32
      %dma_wait3A_125 = tpu.memref_slice %arg2[%mul3A_16, %dma_wait3A_124] : memref<20000x128xf32, #tpu.memory_space<hbm>> -> memref<10000x128xf32, #tpu.memory_space<hbm>>
      %dma_wait3A_126 = arith.constant 0 : i32
      %dma_wait3A_127 = arith.constant 0 : i32
      %dma_wait3A_128 = tpu.memref_slice %dma_wait3A_125[%dma_wait3A_126, %dma_wait3A_127] : memref<10000x128xf32, #tpu.memory_space<hbm>> -> memref<10000x128xf32, #tpu.memory_space<hbm>>
      tpu.wait_indirect_dma semaphore(%arg24 : memref<!tpu.dma_semaphore, #tpu.memory_space<semaphore_mem>>) src(%dma_wait3A_128 : memref<10000x128xf32, #tpu.memory_space<hbm>>) dst(%arg17 : memref<128x128xf32, #tpu.memory_space<vmem>>)
      %add3A_129 = arith.constant 2 : i32
      %add3A_130 = arith.addi %add3A_123, %add3A_129 : i32
      %lt3A_131 = arith.constant 156 : i32
      %lt3A_132 = arith.cmpi slt, %add3A_130, %lt3A_131 : i32
      %convert_element_type3A_133 = arith.extui %lt3A_132 : i1 to i32
      %cond3A_134 = arith.constant 0 : i32
      %cond3A_135 = arith.cmpi ne, %convert_element_type3A_133, %cond3A_134 : i32
      scf.if %cond3A_135 {
        %add3A_164 = arith.constant 2 : i32
        %add3A_165 = arith.addi %add3A_123, %add3A_164 : i32
        %mul3A_166 = arith.constant 128 : i32
        %mul3A_167 = arith.muli %add3A_165, %mul3A_166 : i32
        %add3A_168 = arith.addi %mul3A_14, %mul3A_167 : i32
        %dma_wait3A_169 = tpu.memref_slice %arg3[%add3A_168] : memref<320000xi32, #tpu.memory_space<hbm>> -> memref<128xi32, #tpu.memory_space<hbm>>
        %dma_wait3A_170 = tpu.memref_slice %arg3[%add3A_168] : memref<320000xi32, #tpu.memory_space<hbm>> -> memref<128xi32, #tpu.memory_space<hbm>>
        tpu.wait_dma2 semaphore(%arg20 : memref<!tpu.dma_semaphore, #tpu.memory_space<semaphore_mem>>) src(%dma_wait3A_170 : memref<128xi32, #tpu.memory_space<hbm>>) dst(%arg8 : memref<128xi32, #tpu.memory_space<vmem>>)
        %mul3A_171 = arith.constant 128 : i32
        %mul3A_172 = arith.muli %add3A_165, %mul3A_171 : i32
        %add3A_173 = arith.addi %mul3A_14, %mul3A_172 : i32
        %dma_wait3A_174 = tpu.memref_slice %arg4[%add3A_173] : memref<320000xi32, #tpu.memory_space<hbm>> -> memref<128xi32, #tpu.memory_space<hbm>>
        %dma_wait3A_175 = tpu.memref_slice %arg4[%add3A_173] : memref<320000xi32, #tpu.memory_space<hbm>> -> memref<128xi32, #tpu.memory_space<hbm>>
        tpu.wait_dma2 semaphore(%arg20 : memref<!tpu.dma_semaphore, #tpu.memory_space<semaphore_mem>>) src(%dma_wait3A_175 : memref<128xi32, #tpu.memory_space<hbm>>) dst(%arg11 : memref<128xi32, #tpu.memory_space<vmem>>)
        %dma_start3A_176 = arith.constant 0 : i32
        %dma_start3A_177 = tpu.memref_slice %arg2[%mul3A_16, %dma_start3A_176] : memref<20000x128xf32, #tpu.memory_space<hbm>> -> memref<10000x128xf32, #tpu.memory_space<hbm>>
        %dma_start3A_178 = arith.constant 0 : i32
        %dma_start3A_179 = arith.constant 0 : i32
        %dma_start3A_180 = tpu.memref_slice %dma_start3A_177[%dma_start3A_178, %dma_start3A_179] : memref<10000x128xf32, #tpu.memory_space<hbm>> -> memref<10000x128xf32, #tpu.memory_space<hbm>>
        tpu.enqueue_indirect_dma source(%dma_start3A_180 : memref<10000x128xf32, #tpu.memory_space<hbm>>) target(%arg16 : memref<128x128xf32, #tpu.memory_space<vmem>>) offsets(%arg8 : memref<128xi32, #tpu.memory_space<vmem>>) semaphore(%arg23 : memref<!tpu.dma_semaphore, #tpu.memory_space<semaphore_mem>>)
      } else {
      }
      "tpu.region"() ({
        %run_scoped3A = tpu.sem_alloc : memref<!tpu.dma_semaphore, #tpu.memory_space<semaphore_mem>>
        %dma_start3A_164 = arith.constant 0 : i32
        %dma_start3A_165 = arith.constant 0 : i32
        %dma_start3A_166 = tpu.memref_slice %arg19[%dma_start3A_164, %dma_start3A_165] : memref<10000x128xf32, #tpu.memory_space<vmem_shared>> -> memref<10000x128xf32, #tpu.memory_space<vmem_shared>>
        tpu.enqueue_indirect_dma source(%arg17 : memref<128x128xf32, #tpu.memory_space<vmem>>) target(%dma_start3A_166 : memref<10000x128xf32, #tpu.memory_space<vmem_shared>>) offsets(%arg12 : memref<128xi32, #tpu.memory_space<vmem>>) semaphore(%run_scoped3A : memref<!tpu.dma_semaphore, #tpu.memory_space<semaphore_mem>>) {add = true}
        %dma_wait3A_167 = arith.constant 0 : i32
        %dma_wait3A_168 = arith.constant 0 : i32
        %dma_wait3A_169 = tpu.memref_slice %arg19[%dma_wait3A_167, %dma_wait3A_168] : memref<10000x128xf32, #tpu.memory_space<vmem_shared>> -> memref<10000x128xf32, #tpu.memory_space<vmem_shared>>
        tpu.wait_indirect_dma semaphore(%run_scoped3A : memref<!tpu.dma_semaphore, #tpu.memory_space<semaphore_mem>>) src(%arg17 : memref<128x128xf32, #tpu.memory_space<vmem>>) dst(%dma_wait3A_169 : memref<10000x128xf32, #tpu.memory_space<vmem_shared>>)
        tpu.yield
      }) : () -> ()
      %add3A_136 = arith.constant 3 : i32
      %add3A_137 = arith.addi %add3A_123, %add3A_136 : i32
      %lt3A_138 = arith.constant 156 : i32
      %lt3A_139 = arith.cmpi slt, %add3A_137, %lt3A_138 : i32
      %convert_element_type3A_140 = arith.extui %lt3A_139 : i1 to i32
      %cond3A_141 = arith.constant 0 : i32
      %cond3A_142 = arith.cmpi ne, %convert_element_type3A_140, %cond3A_141 : i32
      scf.if %cond3A_142 {
        %add3A_164 = arith.constant 3 : i32
        %add3A_165 = arith.addi %add3A_123, %add3A_164 : i32
        %mul3A_166 = arith.constant 128 : i32
        %mul3A_167 = arith.muli %add3A_165, %mul3A_166 : i32
        %add3A_168 = arith.addi %mul3A_14, %mul3A_167 : i32
        %dma_start3A_169 = tpu.memref_slice %arg3[%add3A_168] : memref<320000xi32, #tpu.memory_space<hbm>> -> memref<128xi32, #tpu.memory_space<hbm>>
        %dma_start3A_170 = tpu.memref_slice %arg3[%add3A_168] : memref<320000xi32, #tpu.memory_space<hbm>> -> memref<128xi32, #tpu.memory_space<hbm>>
        tpu.enqueue_dma source(%dma_start3A_170 : memref<128xi32, #tpu.memory_space<hbm>>) target(%arg9 : memref<128xi32, #tpu.memory_space<vmem>>) target_semaphore(%arg21 : memref<!tpu.dma_semaphore, #tpu.memory_space<semaphore_mem>>)
        %mul3A_171 = arith.constant 128 : i32
        %mul3A_172 = arith.muli %add3A_165, %mul3A_171 : i32
        %add3A_173 = arith.addi %mul3A_14, %mul3A_172 : i32
        %dma_start3A_174 = tpu.memref_slice %arg4[%add3A_173] : memref<320000xi32, #tpu.memory_space<hbm>> -> memref<128xi32, #tpu.memory_space<hbm>>
        %dma_start3A_175 = tpu.memref_slice %arg4[%add3A_173] : memref<320000xi32, #tpu.memory_space<hbm>> -> memref<128xi32, #tpu.memory_space<hbm>>
        tpu.enqueue_dma source(%dma_start3A_175 : memref<128xi32, #tpu.memory_space<hbm>>) target(%arg12 : memref<128xi32, #tpu.memory_space<vmem>>) target_semaphore(%arg21 : memref<!tpu.dma_semaphore, #tpu.memory_space<semaphore_mem>>)
      } else {
      }
      %add3A_143 = arith.constant 2 : i32
      %add3A_144 = arith.addi %mul3A_101, %add3A_143 : i32
      %dma_wait3A_145 = arith.constant 0 : i32
      %dma_wait3A_146 = tpu.memref_slice %arg2[%mul3A_16, %dma_wait3A_145] : memref<20000x128xf32, #tpu.memory_space<hbm>> -> memref<10000x128xf32, #tpu.memory_space<hbm>>
      %dma_wait3A_147 = arith.constant 0 : i32
      %dma_wait3A_148 = arith.constant 0 : i32
      %dma_wait3A_149 = tpu.memref_slice %dma_wait3A_146[%dma_wait3A_147, %dma_wait3A_148] : memref<10000x128xf32, #tpu.memory_space<hbm>> -> memref<10000x128xf32, #tpu.memory_space<hbm>>
      tpu.wait_indirect_dma semaphore(%arg25 : memref<!tpu.dma_semaphore, #tpu.memory_space<semaphore_mem>>) src(%dma_wait3A_149 : memref<10000x128xf32, #tpu.memory_space<hbm>>) dst(%arg18 : memref<128x128xf32, #tpu.memory_space<vmem>>)
      %add3A_150 = arith.constant 2 : i32
      %add3A_151 = arith.addi %add3A_144, %add3A_150 : i32
      %lt3A_152 = arith.constant 156 : i32
      %lt3A_153 = arith.cmpi slt, %add3A_151, %lt3A_152 : i32
      %convert_element_type3A_154 = arith.extui %lt3A_153 : i1 to i32
      %cond3A_155 = arith.constant 0 : i32
      %cond3A_156 = arith.cmpi ne, %convert_element_type3A_154, %cond3A_155 : i32
      scf.if %cond3A_156 {
        %add3A_164 = arith.constant 2 : i32
        %add3A_165 = arith.addi %add3A_144, %add3A_164 : i32
        %mul3A_166 = arith.constant 128 : i32
        %mul3A_167 = arith.muli %add3A_165, %mul3A_166 : i32
        %add3A_168 = arith.addi %mul3A_14, %mul3A_167 : i32
        %dma_wait3A_169 = tpu.memref_slice %arg3[%add3A_168] : memref<320000xi32, #tpu.memory_space<hbm>> -> memref<128xi32, #tpu.memory_space<hbm>>
        %dma_wait3A_170 = tpu.memref_slice %arg3[%add3A_168] : memref<320000xi32, #tpu.memory_space<hbm>> -> memref<128xi32, #tpu.memory_space<hbm>>
        tpu.wait_dma2 semaphore(%arg21 : memref<!tpu.dma_semaphore, #tpu.memory_space<semaphore_mem>>) src(%dma_wait3A_170 : memref<128xi32, #tpu.memory_space<hbm>>) dst(%arg9 : memref<128xi32, #tpu.memory_space<vmem>>)
        %mul3A_171 = arith.constant 128 : i32
        %mul3A_172 = arith.muli %add3A_165, %mul3A_171 : i32
        %add3A_173 = arith.addi %mul3A_14, %mul3A_172 : i32
        %dma_wait3A_174 = tpu.memref_slice %arg4[%add3A_173] : memref<320000xi32, #tpu.memory_space<hbm>> -> memref<128xi32, #tpu.memory_space<hbm>>
        %dma_wait3A_175 = tpu.memref_slice %arg4[%add3A_173] : memref<320000xi32, #tpu.memory_space<hbm>> -> memref<128xi32, #tpu.memory_space<hbm>>
        tpu.wait_dma2 semaphore(%arg21 : memref<!tpu.dma_semaphore, #tpu.memory_space<semaphore_mem>>) src(%dma_wait3A_175 : memref<128xi32, #tpu.memory_space<hbm>>) dst(%arg12 : memref<128xi32, #tpu.memory_space<vmem>>)
        %dma_start3A_176 = arith.constant 0 : i32
        %dma_start3A_177 = tpu.memref_slice %arg2[%mul3A_16, %dma_start3A_176] : memref<20000x128xf32, #tpu.memory_space<hbm>> -> memref<10000x128xf32, #tpu.memory_space<hbm>>
        %dma_start3A_178 = arith.constant 0 : i32
        %dma_start3A_179 = arith.constant 0 : i32
        %dma_start3A_180 = tpu.memref_slice %dma_start3A_177[%dma_start3A_178, %dma_start3A_179] : memref<10000x128xf32, #tpu.memory_space<hbm>> -> memref<10000x128xf32, #tpu.memory_space<hbm>>
        tpu.enqueue_indirect_dma source(%dma_start3A_180 : memref<10000x128xf32, #tpu.memory_space<hbm>>) target(%arg17 : memref<128x128xf32, #tpu.memory_space<vmem>>) offsets(%arg9 : memref<128xi32, #tpu.memory_space<vmem>>) semaphore(%arg24 : memref<!tpu.dma_semaphore, #tpu.memory_space<semaphore_mem>>)
      } else {
      }
      "tpu.region"() ({
        %run_scoped3A = tpu.sem_alloc : memref<!tpu.dma_semaphore, #tpu.memory_space<semaphore_mem>>
        %dma_start3A_164 = arith.constant 0 : i32
        %dma_start3A_165 = arith.constant 0 : i32
        %dma_start3A_166 = tpu.memref_slice %arg19[%dma_start3A_164, %dma_start3A_165] : memref<10000x128xf32, #tpu.memory_space<vmem_shared>> -> memref<10000x128xf32, #tpu.memory_space<vmem_shared>>
        tpu.enqueue_indirect_dma source(%arg18 : memref<128x128xf32, #tpu.memory_space<vmem>>) target(%dma_start3A_166 : memref<10000x128xf32, #tpu.memory_space<vmem_shared>>) offsets(%arg13 : memref<128xi32, #tpu.memory_space<vmem>>) semaphore(%run_scoped3A : memref<!tpu.dma_semaphore, #tpu.memory_space<semaphore_mem>>) {add = true}
        %dma_wait3A_167 = arith.constant 0 : i32
        %dma_wait3A_168 = arith.constant 0 : i32
        %dma_wait3A_169 = tpu.memref_slice %arg19[%dma_wait3A_167, %dma_wait3A_168] : memref<10000x128xf32, #tpu.memory_space<vmem_shared>> -> memref<10000x128xf32, #tpu.memory_space<vmem_shared>>
        tpu.wait_indirect_dma semaphore(%run_scoped3A : memref<!tpu.dma_semaphore, #tpu.memory_space<semaphore_mem>>) src(%arg18 : memref<128x128xf32, #tpu.memory_space<vmem>>) dst(%dma_wait3A_169 : memref<10000x128xf32, #tpu.memory_space<vmem_shared>>)
        tpu.yield
      }) : () -> ()
      %add3A_157 = arith.constant 3 : i32
      %add3A_158 = arith.addi %add3A_144, %add3A_157 : i32
      %lt3A_159 = arith.constant 156 : i32
      %lt3A_160 = arith.cmpi slt, %add3A_158, %lt3A_159 : i32
      %convert_element_type3A_161 = arith.extui %lt3A_160 : i1 to i32
      %cond3A_162 = arith.constant 0 : i32
      %cond3A_163 = arith.cmpi ne, %convert_element_type3A_161, %cond3A_162 : i32
      scf.if %cond3A_163 {
        %add3A_164 = arith.constant 3 : i32
        %add3A_165 = arith.addi %add3A_144, %add3A_164 : i32
        %mul3A_166 = arith.constant 128 : i32
        %mul3A_167 = arith.muli %add3A_165, %mul3A_166 : i32
        %add3A_168 = arith.addi %mul3A_14, %mul3A_167 : i32
        %dma_start3A_169 = tpu.memref_slice %arg3[%add3A_168] : memref<320000xi32, #tpu.memory_space<hbm>> -> memref<128xi32, #tpu.memory_space<hbm>>
        %dma_start3A_170 = tpu.memref_slice %arg3[%add3A_168] : memref<320000xi32, #tpu.memory_space<hbm>> -> memref<128xi32, #tpu.memory_space<hbm>>
        tpu.enqueue_dma source(%dma_start3A_170 : memref<128xi32, #tpu.memory_space<hbm>>) target(%arg10 : memref<128xi32, #tpu.memory_space<vmem>>) target_semaphore(%arg22 : memref<!tpu.dma_semaphore, #tpu.memory_space<semaphore_mem>>)
        %mul3A_171 = arith.constant 128 : i32
        %mul3A_172 = arith.muli %add3A_165, %mul3A_171 : i32
        %add3A_173 = arith.addi %mul3A_14, %mul3A_172 : i32
        %dma_start3A_174 = tpu.memref_slice %arg4[%add3A_173] : memref<320000xi32, #tpu.memory_space<hbm>> -> memref<128xi32, #tpu.memory_space<hbm>>
        %dma_start3A_175 = tpu.memref_slice %arg4[%add3A_173] : memref<320000xi32, #tpu.memory_space<hbm>> -> memref<128xi32, #tpu.memory_space<hbm>>
        tpu.enqueue_dma source(%dma_start3A_175 : memref<128xi32, #tpu.memory_space<hbm>>) target(%arg13 : memref<128xi32, #tpu.memory_space<vmem>>) target_semaphore(%arg22 : memref<!tpu.dma_semaphore, #tpu.memory_space<semaphore_mem>>)
      } else {
      }
    }
    %scan3A_69 = arith.constant 52 : i32
    %add3A_70 = arith.constant 19968 : i32
    %add3A_71 = arith.addi %mul3A_14, %add3A_70 : i32
    "tpu.region"() ({
      %run_scoped3A = tpu.sem_alloc : memref<!tpu.dma_semaphore, #tpu.memory_space<semaphore_mem>>
      %dma_start3A_99 = tpu.memref_slice %arg3[%add3A_71] : memref<320000xi32, #tpu.memory_space<hbm>> -> memref<32xi32, #tpu.memory_space<hbm>>
      %dma_start3A_100 = tpu.memref_slice %arg3[%add3A_71] : memref<320000xi32, #tpu.memory_space<hbm>> -> memref<32xi32, #tpu.memory_space<hbm>>
      tpu.enqueue_dma source(%dma_start3A_100 : memref<32xi32, #tpu.memory_space<hbm>>) target(%arg14 : memref<32xi32, #tpu.memory_space<vmem>>) target_semaphore(%run_scoped3A : memref<!tpu.dma_semaphore, #tpu.memory_space<semaphore_mem>>)
      %dma_wait3A_101 = tpu.memref_slice %arg3[%add3A_71] : memref<320000xi32, #tpu.memory_space<hbm>> -> memref<32xi32, #tpu.memory_space<hbm>>
      %dma_wait3A_102 = tpu.memref_slice %arg3[%add3A_71] : memref<320000xi32, #tpu.memory_space<hbm>> -> memref<32xi32, #tpu.memory_space<hbm>>
      tpu.wait_dma2 semaphore(%run_scoped3A : memref<!tpu.dma_semaphore, #tpu.memory_space<semaphore_mem>>) src(%dma_wait3A_102 : memref<32xi32, #tpu.memory_space<hbm>>) dst(%arg14 : memref<32xi32, #tpu.memory_space<vmem>>)
      tpu.yield
    }) : () -> ()
    "tpu.region"() ({
      %run_scoped3A = tpu.sem_alloc : memref<!tpu.dma_semaphore, #tpu.memory_space<semaphore_mem>>
      %dma_start3A_99 = tpu.memref_slice %arg4[%add3A_71] : memref<320000xi32, #tpu.memory_space<hbm>> -> memref<32xi32, #tpu.memory_space<hbm>>
      %dma_start3A_100 = tpu.memref_slice %arg4[%add3A_71] : memref<320000xi32, #tpu.memory_space<hbm>> -> memref<32xi32, #tpu.memory_space<hbm>>
      tpu.enqueue_dma source(%dma_start3A_100 : memref<32xi32, #tpu.memory_space<hbm>>) target(%arg15 : memref<32xi32, #tpu.memory_space<vmem>>) target_semaphore(%run_scoped3A : memref<!tpu.dma_semaphore, #tpu.memory_space<semaphore_mem>>)
      %dma_wait3A_101 = tpu.memref_slice %arg4[%add3A_71] : memref<320000xi32, #tpu.memory_space<hbm>> -> memref<32xi32, #tpu.memory_space<hbm>>
      %dma_wait3A_102 = tpu.memref_slice %arg4[%add3A_71] : memref<320000xi32, #tpu.memory_space<hbm>> -> memref<32xi32, #tpu.memory_space<hbm>>
      tpu.wait_dma2 semaphore(%run_scoped3A : memref<!tpu.dma_semaphore, #tpu.memory_space<semaphore_mem>>) src(%dma_wait3A_102 : memref<32xi32, #tpu.memory_space<hbm>>) dst(%arg15 : memref<32xi32, #tpu.memory_space<vmem>>)
      tpu.yield
    }) : () -> ()
    %dma_start3A_72 = arith.constant 0 : i32
    %dma_start3A_73 = arith.constant 0 : i32
    %dma_start3A_74 = tpu.memref_slice %arg16[%dma_start3A_72, %dma_start3A_73] : memref<128x128xf32, #tpu.memory_space<vmem>> -> memref<32x128xf32, #tpu.memory_space<vmem>>
    %dma_start3A_75 = arith.constant 0 : i32
    %dma_start3A_76 = tpu.memref_slice %arg2[%mul3A_16, %dma_start3A_75] : memref<20000x128xf32, #tpu.memory_space<hbm>> -> memref<10000x128xf32, #tpu.memory_space<hbm>>
    %dma_start3A_77 = arith.constant 0 : i32
    %dma_start3A_78 = arith.constant 0 : i32
    %dma_start3A_79 = tpu.memref_slice %dma_start3A_76[%dma_start3A_77, %dma_start3A_78] : memref<10000x128xf32, #tpu.memory_space<hbm>> -> memref<10000x128xf32, #tpu.memory_space<hbm>>
    tpu.enqueue_indirect_dma source(%dma_start3A_79 : memref<10000x128xf32, #tpu.memory_space<hbm>>) target(%dma_start3A_74 : memref<32x128xf32, #tpu.memory_space<vmem>>) offsets(%arg14 : memref<32xi32, #tpu.memory_space<vmem>>) semaphore(%arg23 : memref<!tpu.dma_semaphore, #tpu.memory_space<semaphore_mem>>)
    %dma_wait3A_80 = arith.constant 0 : i32
    %dma_wait3A_81 = arith.constant 0 : i32
    %dma_wait3A_82 = tpu.memref_slice %arg16[%dma_wait3A_80, %dma_wait3A_81] : memref<128x128xf32, #tpu.memory_space<vmem>> -> memref<32x128xf32, #tpu.memory_space<vmem>>
    %dma_wait3A_83 = arith.constant 0 : i32
    %dma_wait3A_84 = tpu.memref_slice %arg2[%mul3A_16, %dma_wait3A_83] : memref<20000x128xf32, #tpu.memory_space<hbm>> -> memref<10000x128xf32, #tpu.memory_space<hbm>>
    %dma_wait3A_85 = arith.constant 0 : i32
    %dma_wait3A_86 = arith.constant 0 : i32
    %dma_wait3A_87 = tpu.memref_slice %dma_wait3A_84[%dma_wait3A_85, %dma_wait3A_86] : memref<10000x128xf32, #tpu.memory_space<hbm>> -> memref<10000x128xf32, #tpu.memory_space<hbm>>
    tpu.wait_indirect_dma semaphore(%arg23 : memref<!tpu.dma_semaphore, #tpu.memory_space<semaphore_mem>>) src(%dma_wait3A_87 : memref<10000x128xf32, #tpu.memory_space<hbm>>) dst(%dma_wait3A_82 : memref<32x128xf32, #tpu.memory_space<vmem>>)
    "tpu.region"() ({
      %run_scoped3A = tpu.sem_alloc : memref<!tpu.dma_semaphore, #tpu.memory_space<semaphore_mem>>
      %dma_start3A_99 = arith.constant 0 : i32
      %dma_start3A_100 = arith.constant 0 : i32
      %dma_start3A_101 = tpu.memref_slice %arg16[%dma_start3A_99, %dma_start3A_100] : memref<128x128xf32, #tpu.memory_space<vmem>> -> memref<32x128xf32, #tpu.memory_space<vmem>>
      %dma_start3A_102 = arith.constant 0 : i32
      %dma_start3A_103 = arith.constant 0 : i32
      %dma_start3A_104 = tpu.memref_slice %arg19[%dma_start3A_102, %dma_start3A_103] : memref<10000x128xf32, #tpu.memory_space<vmem_shared>> -> memref<10000x128xf32, #tpu.memory_space<vmem_shared>>
      tpu.enqueue_indirect_dma source(%dma_start3A_101 : memref<32x128xf32, #tpu.memory_space<vmem>>) target(%dma_start3A_104 : memref<10000x128xf32, #tpu.memory_space<vmem_shared>>) offsets(%arg15 : memref<32xi32, #tpu.memory_space<vmem>>) semaphore(%run_scoped3A : memref<!tpu.dma_semaphore, #tpu.memory_space<semaphore_mem>>) {add = true}
      %dma_wait3A_105 = arith.constant 0 : i32
      %dma_wait3A_106 = arith.constant 0 : i32
      %dma_wait3A_107 = tpu.memref_slice %arg16[%dma_wait3A_105, %dma_wait3A_106] : memref<128x128xf32, #tpu.memory_space<vmem>> -> memref<32x128xf32, #tpu.memory_space<vmem>>
      %dma_wait3A_108 = arith.constant 0 : i32
      %dma_wait3A_109 = arith.constant 0 : i32
      %dma_wait3A_110 = tpu.memref_slice %arg19[%dma_wait3A_108, %dma_wait3A_109] : memref<10000x128xf32, #tpu.memory_space<vmem_shared>> -> memref<10000x128xf32, #tpu.memory_space<vmem_shared>>
      tpu.wait_indirect_dma semaphore(%run_scoped3A : memref<!tpu.dma_semaphore, #tpu.memory_space<semaphore_mem>>) src(%dma_wait3A_107 : memref<32x128xf32, #tpu.memory_space<vmem>>) dst(%dma_wait3A_110 : memref<10000x128xf32, #tpu.memory_space<vmem_shared>>)
      tpu.yield
    }) : () -> ()
    %barrier3A_88 = arith.constant 0 : index
    tpu.barrier barrier_id(%barrier3A_88)
    %eq3A_89 = arith.constant 0 : i32
    %eq3A_90 = arith.cmpi eq, %arg0, %eq3A_89 : i32
    %convert_element_type3A_91 = arith.extui %eq3A_90 : i1 to i32
    %cond3A_92 = arith.constant 0 : i32
    %cond3A_93 = arith.cmpi ne, %convert_element_type3A_91, %cond3A_92 : i32
    scf.if %cond3A_93 {
      "tpu.region"() ({
        %run_scoped3A = tpu.sem_alloc : memref<!tpu.dma_semaphore, #tpu.memory_space<semaphore_mem>>
        %dma_start3A_104 = arith.constant 0 : i32
        %dma_start3A_105 = tpu.memref_slice %arg6[%mul3A_0, %dma_start3A_104] : memref<10000x128xf32, #tpu.memory_space<hbm>> -> memref<624x128xf32, #tpu.memory_space<hbm>>
        %dma_start3A_106 = arith.constant 0 : i32
        %dma_start3A_107 = tpu.memref_slice %arg19[%mul3A_0, %dma_start3A_106] : memref<10000x128xf32, #tpu.memory_space<vmem_shared>> -> memref<624x128xf32, #tpu.memory_space<vmem_shared>>
        tpu.enqueue_dma source(%dma_start3A_107 : memref<624x128xf32, #tpu.memory_space<vmem_shared>>) target(%dma_start3A_105 : memref<624x128xf32, #tpu.memory_space<hbm>>) target_semaphore(%run_scoped3A : memref<!tpu.dma_semaphore, #tpu.memory_space<semaphore_mem>>)
        %dma_wait3A_108 = arith.constant 0 : i32
        %dma_wait3A_109 = tpu.memref_slice %arg6[%mul3A_0, %dma_wait3A_108] : memref<10000x128xf32, #tpu.memory_space<hbm>> -> memref<624x128xf32, #tpu.memory_space<hbm>>
        %dma_wait3A_110 = arith.constant 0 : i32
        %dma_wait3A_111 = tpu.memref_slice %arg19[%mul3A_0, %dma_wait3A_110] : memref<10000x128xf32, #tpu.memory_space<vmem_shared>> -> memref<624x128xf32, #tpu.memory_space<vmem_shared>>
        tpu.wait_dma2 semaphore(%run_scoped3A : memref<!tpu.dma_semaphore, #tpu.memory_space<semaphore_mem>>) src(%dma_wait3A_111 : memref<624x128xf32, #tpu.memory_space<vmem_shared>>) dst(%dma_wait3A_109 : memref<624x128xf32, #tpu.memory_space<hbm>>)
        tpu.yield
      }) : () -> ()
      %eq3A_99 = arith.constant 0 : i32
      %eq3A_100 = arith.cmpi eq, %arg1, %eq3A_99 : i32
      %convert_element_type3A_101 = arith.extui %eq3A_100 : i1 to i32
      %cond3A_102 = arith.constant 0 : i32
      %cond3A_103 = arith.cmpi ne, %convert_element_type3A_101, %cond3A_102 : i32
      scf.if %cond3A_103 {
        "tpu.region"() ({
          %run_scoped3A = tpu.sem_alloc : memref<!tpu.dma_semaphore, #tpu.memory_space<semaphore_mem>>
          %dma_start3A_104 = arith.constant 9984 : i32
          %dma_start3A_105 = arith.constant 0 : i32
          %dma_start3A_106 = tpu.memref_slice %arg6[%dma_start3A_104, %dma_start3A_105] : memref<10000x128xf32, #tpu.memory_space<hbm>> -> memref<16x128xf32, #tpu.memory_space<hbm>>
          %dma_start3A_107 = arith.constant 9984 : i32
          %dma_start3A_108 = arith.constant 0 : i32
          %dma_start3A_109 = tpu.memref_slice %arg19[%dma_start3A_107, %dma_start3A_108] : memref<10000x128xf32, #tpu.memory_space<vmem_shared>> -> memref<16x128xf32, #tpu.memory_space<vmem_shared>>
          tpu.enqueue_dma source(%dma_start3A_109 : memref<16x128xf32, #tpu.memory_space<vmem_shared>>) target(%dma_start3A_106 : memref<16x128xf32, #tpu.memory_space<hbm>>) target_semaphore(%run_scoped3A : memref<!tpu.dma_semaphore, #tpu.memory_space<semaphore_mem>>)
          %dma_wait3A_110 = arith.constant 9984 : i32
          %dma_wait3A_111 = arith.constant 0 : i32
          %dma_wait3A_112 = tpu.memref_slice %arg6[%dma_wait3A_110, %dma_wait3A_111] : memref<10000x128xf32, #tpu.memory_space<hbm>> -> memref<16x128xf32, #tpu.memory_space<hbm>>
          %dma_wait3A_113 = arith.constant 9984 : i32
          %dma_wait3A_114 = arith.constant 0 : i32
          %dma_wait3A_115 = tpu.memref_slice %arg19[%dma_wait3A_113, %dma_wait3A_114] : memref<10000x128xf32, #tpu.memory_space<vmem_shared>> -> memref<16x128xf32, #tpu.memory_space<vmem_shared>>
          tpu.wait_dma2 semaphore(%run_scoped3A : memref<!tpu.dma_semaphore, #tpu.memory_space<semaphore_mem>>) src(%dma_wait3A_115 : memref<16x128xf32, #tpu.memory_space<vmem_shared>>) dst(%dma_wait3A_112 : memref<16x128xf32, #tpu.memory_space<hbm>>)
          tpu.yield
        }) : () -> ()
      } else {
      }
    } else {
    }
    %eq3A_94 = arith.constant 1 : i32
    %eq3A_95 = arith.cmpi eq, %arg0, %eq3A_94 : i32
    %convert_element_type3A_96 = arith.extui %eq3A_95 : i1 to i32
    %cond3A_97 = arith.constant 0 : i32
    %cond3A_98 = arith.cmpi ne, %convert_element_type3A_96, %cond3A_97 : i32
    scf.if %cond3A_98 {
      "tpu.region"() ({
        %run_scoped3A = tpu.sem_alloc : memref<!tpu.dma_semaphore, #tpu.memory_space<semaphore_mem>>
        %dma_start3A_104 = arith.constant 0 : i32
        %dma_start3A_105 = tpu.memref_slice %arg7[%mul3A_0, %dma_start3A_104] : memref<10000x128xf32, #tpu.memory_space<hbm>> -> memref<624x128xf32, #tpu.memory_space<hbm>>
        %dma_start3A_106 = arith.constant 0 : i32
        %dma_start3A_107 = tpu.memref_slice %arg19[%mul3A_0, %dma_start3A_106] : memref<10000x128xf32, #tpu.memory_space<vmem_shared>> -> memref<624x128xf32, #tpu.memory_space<vmem_shared>>
        tpu.enqueue_dma source(%dma_start3A_107 : memref<624x128xf32, #tpu.memory_space<vmem_shared>>) target(%dma_start3A_105 : memref<624x128xf32, #tpu.memory_space<hbm>>) target_semaphore(%run_scoped3A : memref<!tpu.dma_semaphore, #tpu.memory_space<semaphore_mem>>)
        %dma_wait3A_108 = arith.constant 0 : i32
        %dma_wait3A_109 = tpu.memref_slice %arg7[%mul3A_0, %dma_wait3A_108] : memref<10000x128xf32, #tpu.memory_space<hbm>> -> memref<624x128xf32, #tpu.memory_space<hbm>>
        %dma_wait3A_110 = arith.constant 0 : i32
        %dma_wait3A_111 = tpu.memref_slice %arg19[%mul3A_0, %dma_wait3A_110] : memref<10000x128xf32, #tpu.memory_space<vmem_shared>> -> memref<624x128xf32, #tpu.memory_space<vmem_shared>>
        tpu.wait_dma2 semaphore(%run_scoped3A : memref<!tpu.dma_semaphore, #tpu.memory_space<semaphore_mem>>) src(%dma_wait3A_111 : memref<624x128xf32, #tpu.memory_space<vmem_shared>>) dst(%dma_wait3A_109 : memref<624x128xf32, #tpu.memory_space<hbm>>)
        tpu.yield
      }) : () -> ()
      %eq3A_99 = arith.constant 0 : i32
      %eq3A_100 = arith.cmpi eq, %arg1, %eq3A_99 : i32
      %convert_element_type3A_101 = arith.extui %eq3A_100 : i1 to i32
      %cond3A_102 = arith.constant 0 : i32
      %cond3A_103 = arith.cmpi ne, %convert_element_type3A_101, %cond3A_102 : i32
      scf.if %cond3A_103 {
        "tpu.region"() ({
          %run_scoped3A = tpu.sem_alloc : memref<!tpu.dma_semaphore, #tpu.memory_space<semaphore_mem>>
          %dma_start3A_104 = arith.constant 9984 : i32
          %dma_start3A_105 = arith.constant 0 : i32
          %dma_start3A_106 = tpu.memref_slice %arg7[%dma_start3A_104, %dma_start3A_105] : memref<10000x128xf32, #tpu.memory_space<hbm>> -> memref<16x128xf32, #tpu.memory_space<hbm>>
          %dma_start3A_107 = arith.constant 9984 : i32
          %dma_start3A_108 = arith.constant 0 : i32
          %dma_start3A_109 = tpu.memref_slice %arg19[%dma_start3A_107, %dma_start3A_108] : memref<10000x128xf32, #tpu.memory_space<vmem_shared>> -> memref<16x128xf32, #tpu.memory_space<vmem_shared>>
          tpu.enqueue_dma source(%dma_start3A_109 : memref<16x128xf32, #tpu.memory_space<vmem_shared>>) target(%dma_start3A_106 : memref<16x128xf32, #tpu.memory_space<hbm>>) target_semaphore(%run_scoped3A : memref<!tpu.dma_semaphore, #tpu.memory_space<semaphore_mem>>)
          %dma_wait3A_110 = arith.constant 9984 : i32
          %dma_wait3A_111 = arith.constant 0 : i32
          %dma_wait3A_112 = tpu.memref_slice %arg7[%dma_wait3A_110, %dma_wait3A_111] : memref<10000x128xf32, #tpu.memory_space<hbm>> -> memref<16x128xf32, #tpu.memory_space<hbm>>
          %dma_wait3A_113 = arith.constant 9984 : i32
          %dma_wait3A_114 = arith.constant 0 : i32
          %dma_wait3A_115 = tpu.memref_slice %arg19[%dma_wait3A_113, %dma_wait3A_114] : memref<10000x128xf32, #tpu.memory_space<vmem_shared>> -> memref<16x128xf32, #tpu.memory_space<vmem_shared>>
          tpu.wait_dma2 semaphore(%run_scoped3A : memref<!tpu.dma_semaphore, #tpu.memory_space<semaphore_mem>>) src(%dma_wait3A_115 : memref<16x128xf32, #tpu.memory_space<vmem_shared>>) dst(%dma_wait3A_112 : memref<16x128xf32, #tpu.memory_space<hbm>>)
          tpu.yield
        }) : () -> ()
      } else {
      }
    } else {
    }
    return
  }
}

module attributes {stable_mosaic.version = 14 : i64} {
  func.func @_tables_body(%arg0: memref<10000x128xf32, #tpu.memory_space<vmem>>, %arg1: memref<1xf32, #tpu.memory_space<smem>>, %arg2: memref<20000x128xf32, #tpu.memory_space<vmem>>) attributes {dimension_semantics = [], scalar_prefetch = 0 : i64, scratch_operands = 0 : i64, tpu.core_type = #tpu.core_type<tc>} {
    %get3A = arith.constant 0 : index
    %get3A_0 = arith.constant 0 : index
    %get3A_1 = vector.load %arg0[%get3A, %get3A_0] : memref<10000x128xf32, #tpu.memory_space<vmem>>, vector<10000x128xf32>
    %get3A_2 = arith.constant 0 : index
    %get3A_3 = memref.load %arg1[%get3A_2] : memref<1xf32, #tpu.memory_space<smem>>
    %max3A = arith.constant 0.000000e+00 : f32
    %max3A_4 = vector.broadcast %max3A : f32 to vector<10000x128xf32>
    %max3A_5 = arith.maximumf %get3A_1, %max3A_4 : vector<10000x128xf32>
    %add3A = arith.constant 1.000000e-07 : f32
    %add3A_6 = vector.broadcast %add3A : f32 to vector<10000x128xf32>
    %add3A_7 = arith.addf %max3A_5, %add3A_6 : vector<10000x128xf32>
    %mul3A = vector.broadcast %get3A_3 : f32 to vector<10000x128xf32>
    %mul3A_8 = arith.mulf %add3A_7, %mul3A : vector<10000x128xf32>
    %reduce_max3A = arith.constant dense<0xFF800000> : vector<128xf32>
    %reduce_max3A_9 = vector.multi_reduction <maximumf>, %mul3A_8, %reduce_max3A [0] : vector<10000x128xf32> to vector<128xf32>
    %broadcast_in_dim3A = vector.shape_cast %reduce_max3A_9 : vector<128xf32> to vector<1x128xf32>
    %sub3A = vector.broadcast %broadcast_in_dim3A : vector<1x128xf32> to vector<10000x128xf32>
    %sub3A_10 = arith.subf %mul3A_8, %sub3A : vector<10000x128xf32>
    %exp3A = math.exp %sub3A_10 : vector<10000x128xf32>
    %swap3A = arith.constant 0 : index
    %swap3A_11 = arith.constant 0 : index
    %swap3A_12 = vector.load %arg2[%swap3A, %swap3A_11] : memref<20000x128xf32, #tpu.memory_space<vmem>>, vector<10000x128xf32>
    tpu.vector_store %arg2[%swap3A, %swap3A_11], %exp3A {strides = array<i32>} : memref<20000x128xf32, #tpu.memory_space<vmem>>, vector<10000x128xf32>,
    %mul3A_13 = arith.mulf %add3A_7, %exp3A : vector<10000x128xf32>
    %swap3A_14 = arith.constant 10000 : index
    %swap3A_15 = arith.constant 0 : index
    %swap3A_16 = vector.load %arg2[%swap3A_14, %swap3A_15] : memref<20000x128xf32, #tpu.memory_space<vmem>>, vector<10000x128xf32>
    tpu.vector_store %arg2[%swap3A_14, %swap3A_15], %mul3A_13 {strides = array<i32>} : memref<20000x128xf32, #tpu.memory_space<vmem>>, vector<10000x128xf32>,
    return
  }
}

module attributes {stable_mosaic.version = 14 : i64} {
  func.func @_mlp_body(%arg0: i32, %arg1: memref<2000x128xf32, #tpu.memory_space<vmem>>, %arg2: memref<2000x128xf32, #tpu.memory_space<vmem>>, %arg3: memref<2000x128xf32, #tpu.memory_space<vmem>>, %arg4: memref<128x256xf32, #tpu.memory_space<vmem>>, %arg5: memref<256x128xf32, #tpu.memory_space<vmem>>, %arg6: memref<1x256xf32, #tpu.memory_space<vmem>>, %arg7: memref<1x256xf32, #tpu.memory_space<vmem>>, %arg8: memref<1x256xf32, #tpu.memory_space<vmem>>, %arg9: memref<1x256xf32, #tpu.memory_space<vmem>>, %arg10: memref<2000x128xf32, #tpu.memory_space<vmem>>) attributes {dimension_semantics = [#tpu.dimension_semantics<arbitrary>], iteration_bounds = array<i64: 5>, scalar_prefetch = 0 : i64, scratch_operands = 0 : i64, tpu.core_type = #tpu.core_type<tc>, window_params = [{transform_indices = @transform_0, window_bounds = array<i64: 2000, 128>}, {transform_indices = @transform_1, window_bounds = array<i64: 2000, 128>}, {transform_indices = @transform_2, window_bounds = array<i64: 2000, 128>}, {pipeline_mode = #tpu.pipeline_mode<synchronous>, transform_indices = @transform_3, window_bounds = array<i64: 128, 256>}, {pipeline_mode = #tpu.pipeline_mode<synchronous>, transform_indices = @transform_4, window_bounds = array<i64: 256, 128>}, {pipeline_mode = #tpu.pipeline_mode<synchronous>, transform_indices = @transform_5, window_bounds = array<i64: 1, 256>}, {pipeline_mode = #tpu.pipeline_mode<synchronous>, transform_indices = @transform_6, window_bounds = array<i64: 1, 256>}, {pipeline_mode = #tpu.pipeline_mode<synchronous>, transform_indices = @transform_7, window_bounds = array<i64: 1, 256>}, {pipeline_mode = #tpu.pipeline_mode<synchronous>, transform_indices = @transform_8, window_bounds = array<i64: 1, 256>}, {transform_indices = @transform_9, window_bounds = array<i64: 2000, 128>}]} {
    %get3A = arith.constant 0 : index
    %get3A_0 = arith.constant 0 : index
    %get3A_1 = vector.load %arg1[%get3A, %get3A_0] : memref<2000x128xf32, #tpu.memory_space<vmem>>, vector<2000x128xf32>
    %get3A_2 = arith.constant 0 : index
    %get3A_3 = arith.constant 0 : index
    %get3A_4 = vector.load %arg3[%get3A_2, %get3A_3] : memref<2000x128xf32, #tpu.memory_space<vmem>>, vector<2000x128xf32>
    %get3A_5 = arith.constant 0 : index
    %get3A_6 = arith.constant 0 : index
    %get3A_7 = vector.load %arg2[%get3A_5, %get3A_6] : memref<2000x128xf32, #tpu.memory_space<vmem>>, vector<2000x128xf32>
    %add3A = arith.constant 1.000000e-16 : f32
    %add3A_8 = vector.broadcast %add3A : f32 to vector<2000x128xf32>
    %add3A_9 = arith.addf %get3A_7, %add3A_8 : vector<2000x128xf32>
    %div3A = arith.divf %get3A_4, %add3A_9 : vector<2000x128xf32>
    %add3A_10 = arith.addf %div3A, %get3A_1 : vector<2000x128xf32>
    %get3A_11 = arith.constant 0 : index
    %get3A_12 = arith.constant 0 : index
    %get3A_13 = vector.load %arg6[%get3A_11, %get3A_12] : memref<1x256xf32, #tpu.memory_space<vmem>>, vector<1x256xf32>
    %get3A_14 = arith.constant 0 : index
    %get3A_15 = arith.constant 0 : index
    %get3A_16 = vector.load %arg9[%get3A_14, %get3A_15] : memref<1x256xf32, #tpu.memory_space<vmem>>, vector<1x256xf32>
    %add3A_17 = arith.constant 9.99999974E-6 : f32
    %add3A_18 = vector.broadcast %add3A_17 : f32 to vector<1x256xf32>
    %add3A_19 = arith.addf %get3A_16, %add3A_18 : vector<1x256xf32>
    %rsqrt3A = math.rsqrt %add3A_19 : vector<1x256xf32>
    %mul3A = arith.mulf %get3A_13, %rsqrt3A : vector<1x256xf32>
    %get3A_20 = arith.constant 0 : index
    %get3A_21 = arith.constant 0 : index
    %get3A_22 = vector.load %arg7[%get3A_20, %get3A_21] : memref<1x256xf32, #tpu.memory_space<vmem>>, vector<1x256xf32>
    %get3A_23 = arith.constant 0 : index
    %get3A_24 = arith.constant 0 : index
    %get3A_25 = vector.load %arg8[%get3A_23, %get3A_24] : memref<1x256xf32, #tpu.memory_space<vmem>>, vector<1x256xf32>
    %mul3A_26 = arith.mulf %get3A_25, %mul3A : vector<1x256xf32>
    %sub3A = arith.subf %get3A_22, %mul3A_26 : vector<1x256xf32>
    %get3A_27 = arith.constant 0 : index
    %get3A_28 = arith.constant 0 : index
    %get3A_29 = vector.load %arg4[%get3A_27, %get3A_28] : memref<128x256xf32, #tpu.memory_space<vmem>>, vector<128x256xf32>
    %dot_general3A = arith.constant dense<0.000000e+00> : vector<2000x256xf32>
    %dot_general3A_30 = tpu.matmul %add3A_10, %get3A_29, %dot_general3A {dimension_numbers = #tpu.dot_dimension_numbers<[1], [0], [0], [1], [0, 0, 1, 1], [], []>, transpose_lhs_hint = false} : vector<2000x128xf32>, vector<128x256xf32>, vector<2000x256xf32> -> vector<2000x256xf32>
    %mul3A_31 = vector.broadcast %mul3A : vector<1x256xf32> to vector<2000x256xf32>
    %mul3A_32 = arith.mulf %dot_general3A_30, %mul3A_31 : vector<2000x256xf32>
    %add3A_33 = vector.broadcast %sub3A : vector<1x256xf32> to vector<2000x256xf32>
    %add3A_34 = arith.addf %mul3A_32, %add3A_33 : vector<2000x256xf32>
    %max3A = arith.constant 0.000000e+00 : f32
    %max3A_35 = vector.broadcast %max3A : f32 to vector<2000x256xf32>
    %max3A_36 = arith.maximumf %add3A_34, %max3A_35 : vector<2000x256xf32>
    %get3A_37 = arith.constant 0 : index
    %get3A_38 = arith.constant 0 : index
    %get3A_39 = vector.load %arg5[%get3A_37, %get3A_38] : memref<256x128xf32, #tpu.memory_space<vmem>>, vector<256x128xf32>
    %dot_general3A_40 = arith.constant dense<0.000000e+00> : vector<2000x128xf32>
    %dot_general3A_41 = tpu.matmul %max3A_36, %get3A_39, %dot_general3A_40 {dimension_numbers = #tpu.dot_dimension_numbers<[1], [0], [0], [1], [0, 0, 1, 1], [], []>, transpose_lhs_hint = false} : vector<2000x256xf32>, vector<256x128xf32>, vector<2000x128xf32> -> vector<2000x128xf32>
    %add3A_42 = arith.addf %get3A_1, %dot_general3A_41 : vector<2000x128xf32>
    %swap3A = arith.constant 0 : index
    %swap3A_43 = arith.constant 0 : index
    %swap3A_44 = vector.load %arg10[%swap3A, %swap3A_43] : memref<2000x128xf32, #tpu.memory_space<vmem>>, vector<2000x128xf32>
    tpu.vector_store %arg10[%swap3A, %swap3A_43], %add3A_42 {strides = array<i32>} : memref<2000x128xf32, #tpu.memory_space<vmem>>, vector<2000x128xf32>,
    return
  }
  func.func @transform_0(%arg0: i32) -> (i32, i32) {
    %c0_i32 = arith.constant 0 : i32
    %c0_i32_0 = arith.constant 0 : i32
    return %arg0, %c0_i32 : i32, i32
  }
  func.func @transform_1(%arg0: i32) -> (i32, i32) {
    %c0_i32 = arith.constant 0 : i32
    %c0_i32_0 = arith.constant 0 : i32
    return %arg0, %c0_i32 : i32, i32
  }
  func.func @transform_2(%arg0: i32) -> (i32, i32) {
    %c0_i32 = arith.constant 0 : i32
    %c0_i32_0 = arith.constant 0 : i32
    return %arg0, %c0_i32 : i32, i32
  }
  func.func @transform_3(%arg0: i32) -> (i32, i32) {
    %c0_i32 = arith.constant 0 : i32
    %c0_i32_0 = arith.constant 0 : i32
    %c0_i32_1 = arith.constant 0 : i32
    return %c0_i32, %c0_i32_0 : i32, i32
  }
  func.func @transform_4(%arg0: i32) -> (i32, i32) {
    %c0_i32 = arith.constant 0 : i32
    %c0_i32_0 = arith.constant 0 : i32
    %c0_i32_1 = arith.constant 0 : i32
    return %c0_i32, %c0_i32_0 : i32, i32
  }
  func.func @transform_5(%arg0: i32) -> (i32, i32) {
    %c0_i32 = arith.constant 0 : i32
    %c0_i32_0 = arith.constant 0 : i32
    %c0_i32_1 = arith.constant 0 : i32
    return %c0_i32, %c0_i32_0 : i32, i32
  }
  func.func @transform_6(%arg0: i32) -> (i32, i32) {
    %c0_i32 = arith.constant 0 : i32
    %c0_i32_0 = arith.constant 0 : i32
    %c0_i32_1 = arith.constant 0 : i32
    return %c0_i32, %c0_i32_0 : i32, i32
  }
  func.func @transform_7(%arg0: i32) -> (i32, i32) {
    %c0_i32 = arith.constant 0 : i32
    %c0_i32_0 = arith.constant 0 : i32
    %c0_i32_1 = arith.constant 0 : i32
    return %c0_i32, %c0_i32_0 : i32, i32
  }
  func.func @transform_8(%arg0: i32) -> (i32, i32) {
    %c0_i32 = arith.constant 0 : i32
    %c0_i32_0 = arith.constant 0 : i32
    %c0_i32_1 = arith.constant 0 : i32
    return %c0_i32, %c0_i32_0 : i32, i32
  }
  func.func @transform_9(%arg0: i32) -> (i32, i32) {
    %c0_i32 = arith.constant 0 : i32
    %c0_i32_0 = arith.constant 0 : i32
    return %arg0, %c0_i32 : i32, i32
  }
}

</mosaic_0001>

<sc_bundles>
// kernel: kernel.5.cloned.1.call-start
scs
__scs_entry_jumppad:
0x0: {  	(pc) =	sbr.rel $0x88, $3  }
0x1: {  	(tag) =	ssettag $0x0;
	lr =	simm.s32 $0x1  }
0x2: {  	[smem:$0x3F98] =	sst lr;
	_ =	strace $0xD0000000  }
0x3: {  	_ = 	snop  }
0x4: {  	_ = 	snop  }
0x5: {  	_ = 	snop  }
0x6: {  	_ = 	snop  }
0x7: {  	_ = 	snop  }
__scs_overlays_trampoline_lowered:
0x8: {  	[smem:$0x3FA7] =	sst s0  }
0x9: {  	[smem:$0x3FA8] =	sst s1  }
0xa: {  	[smem:$0x3FA9] =	sst s2  }
0xb: {  	[smem:$0x3FAA] =	sst s3  }
0xc: {  	[smem:$0x3FAB] =	sst s4  }
0xd: {  	[smem:$0x3FAC] =	sst s5  }
0xe: {  	[smem:$0x3FAD] =	sst s6  }
0xf: {  	[smem:$0x3FAE] =	sst s7  }
0x10: {  	[smem:$0x3FAF] =	sst s8  }
0x11: {  	[smem:$0x3FB0] =	sst s9;
	s0 =	simm.s32 @!p0 $0x0  }
0x12: {  	s1 =	sld [smem:$0x3F96];
	s0 =	simm.s32 @p0 $0x1  }
0x13: {  	[smem:$0x3FB1] =	sst s0;
	s0 =	simm.s32 @!p1 $0x0  }
0x14: {  	s2 =	sld [smem:$0x3F95];
	s0 =	simm.s32 @p1 $0x1  }
0x15: {  	[smem:$0x3FB2] =	sst s0;
	s0 =	simm.s32 @!p2 $0x0  }
0x16: {  	s3 =	sld [smem:$0x3FDB];
	s0 =	simm.s32 @p2 $0x1  }
0x17: {  	s4 =	simm.s32 $0x1BF5;
	[smem:$0x3FB4] =	sst s0  }
0x18: {  	s0 =	sld [smem:$0x3F97];
	_ =	swait.ge [sflag:s4], $0x0  }
0x19: {  	s7 =	sld [smem:$0x3F98]  }
0x1a: {  	s8 =	sadd.s32 $0xFFFFE003, lr  }
0x1b: {  	s9 =	sadd.s32 $0xFFFFFEF7, lr;
	s5 =	simm.s32 $0xFFFFFFFF;
	p2 =	slt.u32 s8, $0xFFFFF086  }
0x1c: {  	p1 =	slt.u32 s9, $0xF7A;
	s5 =	simm.s32 @!p2 $0x0  }
0x1d: {  	s5 =	simm.s32 @p1 $0x1;
	p0 =	seq.s32 s7, s2  }
0x1e: {  	s7 =	smul.u32 @!p0 $0xF7A, s2;
	p2 =	seq.s32 @!p0 s5, $0x0  }
0x1f: {  	s9 =	smul.u32 $0xF7A, s1;
	s8 =	simm.s32 @!p0 $0x1BF5;
	p2 =	por !p2, p0  }
0x20: {  	[sflag:s8] =	ssyncset.s32 @!p0 $0xFFFFF086;
	s6 =	sadd.s32 @!p0 s3, s7;
	s7 =	simm.s32 @!p0 $0x108  }
0x21: {  	s3 =	sadd.s32 s3, s9;
	s6 =	sadd.s32 @!p0 $0x88, s6;
	s7 =	simm.s32 @p2 $0x1082  }
0x22: {  	[simem:s7], [sflag:s8] =	dma.local @!p0 [hbm:s6], $0xF7A  }
0x23: {  	s9 =	sor.u32 $0xD0000000, s2;
	s6 =	simm.s32 $0x108;
	_ =	swait.ge @!p0 [sflag:s8], $0x0  }
0x24: {  	s3 =	sadd.s32 $0x88, s3;
	s6 =	simm.s32 @!p1 $0x1082;
	[sflag:s4] =	ssyncset.s32 $0xFFFFF086  }
0x25: {  	[simem:s6], [sflag:s4] =	dma.local [hbm:s3], $0xF7A  }
0x26: {  	[smem:$0x3F98] =	sst s1;
	(tag) =	ssettag s2;
	_ =	strace s9  }
0x27: {  	s1 =	sld [smem:$0x3FA8]  }
0x28: {  	s2 =	sld [smem:$0x3FA9]  }
0x29: {  	s4 =	sld [smem:$0x3FAB]  }
0x2a: {  	p0 =	seq.s32 s5, $0x0;
	s5 =	sld [smem:$0x3FAC]  }
0x2b: {  	s6 =	sld [smem:$0x3FAD]  }
0x2c: {  	s7 =	sld [smem:$0x3FAE]  }
0x2d: {  	s3 =	simm.s32 $0x108;
	s8 =	sld [smem:$0x3FAF]  }
0x2e: {  	s3 =	simm.s32 @!p0 $0x1082;
	s9 =	sld [smem:$0x3FB0]  }
0x2f: {  	lr =	sadd.s32 s0, s3;
	s0 =	sld [smem:$0x3FA7]  }
0x30: {  	s3 =	sld [smem:$0x3FAA]  }
0x31: {  	[smem:$0x3FB3] =	sst s10  }
0x32: {  	s10 =	sld [smem:$0x3FB1];
	_ =	sdelay $0x3  }
0x33: {  	p0 =	seq.s32 s10, $0x1;
	s10 =	sld [smem:$0x3FB3];
	_ =	sdelay $0x3  }
0x34: {  	[smem:$0x3FB3] =	sst s10  }
0x35: {  	s10 =	sld [smem:$0x3FB2];
	_ =	sdelay $0x3  }
0x36: {  	p1 =	seq.s32 s10, $0x1;
	s10 =	sld [smem:$0x3FB3];
	_ =	sdelay $0x3  }
0x37: {  	[smem:$0x3FB3] =	sst s10  }
0x38: {  	s10 =	sld [smem:$0x3FB4]  }
0x39: {  	_ = 	snop;
	(pc) =	sbr.ind lr, $3  }
0x3a: {  	_ = 	snop  }
0x3b: {  	_ = 	snop  }
0x3c: {  	p2 =	seq.s32 s10, $0x1;
	s10 =	sld [smem:$0x3FB3]  }
0x3d: {  	_ =	shalt  }
0x3e: {  	_ =	shalt  }
0x3f: {  	_ =	shalt  }
0x40: {  	_ =	shalt  }
0x41: {  	_ =	shalt  }
0x42: {  	_ =	shalt  }
0x43: {  	_ =	shalt  }
0x44: {  	_ =	shalt  }
0x45: {  	_ =	shalt  }
0x46: {  	_ =	shalt  }
0x47: {  	_ =	shalt  }
0x48: {  	_ =	shalt  }
0x49: {  	_ =	shalt  }
0x4a: {  	_ =	shalt  }
0x4b: {  	_ =	shalt  }
0x4c: {  	_ =	shalt  }
0x4d: {  	_ =	shalt  }
0x4e: {  	_ =	shalt  }
0x4f: {  	_ =	shalt  }
0x50: {  	_ =	shalt  }
0x51: {  	_ =	shalt  }
0x52: {  	_ =	shalt  }
0x53: {  	_ =	shalt  }
0x54: {  	_ =	shalt  }
0x55: {  	_ =	shalt  }
0x56: {  	_ =	shalt  }
0x57: {  	_ =	shalt  }
0x58: {  	_ =	shalt  }
0x59: {  	_ =	shalt  }
0x5a: {  	_ =	shalt  }
0x5b: {  	_ =	shalt  }
0x5c: {  	_ =	shalt  }
0x5d: {  	_ =	shalt  }
0x5e: {  	_ =	shalt  }
0x5f: {  	_ =	shalt  }
0x60: {  	_ =	shalt  }
0x61: {  	_ =	shalt  }
0x62: {  	_ =	shalt  }
0x63: {  	_ =	shalt  }
0x64: {  	_ =	shalt  }
0x65: {  	_ =	shalt  }
0x66: {  	_ =	shalt  }
0x67: {  	_ =	shalt  }
0x68: {  	_ =	shalt  }
0x69: {  	_ =	shalt  }
0x6a: {  	_ =	shalt  }
0x6b: {  	_ =	shalt  }
0x6c: {  	_ =	shalt  }
0x6d: {  	_ =	shalt  }
0x6e: {  	_ =	shalt  }
0x6f: {  	_ =	shalt  }
0x70: {  	_ =	shalt  }
0x71: {  	_ =	shalt  }
0x72: {  	_ =	shalt  }
0x73: {  	_ =	shalt  }
0x74: {  	_ =	shalt  }
0x75: {  	_ =	shalt  }
0x76: {  	_ =	shalt  }
0x77: {  	_ =	shalt  }
0x78: {  	_ =	shalt  }
0x79: {  	_ =	shalt  }
0x7a: {  	_ =	shalt  }
0x7b: {  	_ =	shalt  }
0x7c: {  	_ =	shalt  }
0x7d: {  	_ =	shalt  }
0x7e: {  	_ =	shalt  }
0x7f: {  	_ =	shalt  }
0x80: {  	_ =	shalt  }
0x81: {  	_ =	shalt  }
0x82: {  	_ =	shalt  }
0x83: {  	_ =	shalt  }
0x84: {  	_ =	shalt  }
0x85: {  	_ =	shalt  }
0x86: {  	_ =	shalt  }
0x87: {  	_ =	shalt  }
.Lfunc_end0:
.L_simem_size_0:
called_computation_lowered:
.L_overlay_start_0:
0x88: {  	s2 =	sld [smem:$0x3FD9]  }
0x89: {  	s3 =	sld [smem:$0x3FFE];
	_ =	sdelay $0x1  }
0x8a: {  	s1 =	srdreg.scid  }
0x8b: {  	s0 =	sand.u32 $0x1, s1  }
0x8c: {  	s17 =	sshll.u32 s0, $0xA;
	s2 =	sadd.s32 s3, s2  }
0x8d: {  	s2 =	sadd.s32 s2, s17  }
0x8e: {  	[smem:$0x3FBF] =	sst s2  }
0x8f: {  	_ = 	snop  }
0x90: {  	s2 =	sld [smem:$0x3FD0];
	(tm) =	ssettm $0x1  }
0x91: {  	s18 =	sld [smem:$0x3FFB];
	_ =	sdelay $0x3  }
0x92: {  	_ =	strace s18  }
0x93: {  	s3 =	sld [smem:$0x3FFC];
	_ =	sdelay $0x3  }
0x94: {  	_ =	strace s3  }
0x95: {  	s3 =	sld [smem:$0x3FFD];
	_ =	sdelay $0x3  }
0x96: {  	_ =	strace s3  }
0x97: {  	_ =	strace $0x8FFFFFFF  }
0x98: {  	s19 =	sld [smem:$0x3FDB];
	_ =	sdelay $0x1  }
0x99: {  	s4 =	simm.s32 $_scs_section_size  }
0x9a: {  	s5 =	simm.s32 $_size__tile_overlayer_lowered;
	s6 =	simm.s32 $_tile_overlayer_lowered  }
0x9b: {  	s22 =	simm.s32 $0x1BFF;
	s21 =	sshll.u32 s6, $0x1;
	s3 =	sadd.s32 s4, s19  }
0x9c: {  	s7 =	simm.s32 $0x0;
	s20 =	sshll.u32 s5, $0x1;
	s5 =	sadd.s32 s21, s3  }
0x9d: {  	[timem:s7], [sflag:s22] =	dma.local [hbm:s5], s20  }
0x9e: {  	_ =	swait.ge [sflag:s22], s20  }
0x9f: {  	s4 =	ssub.s32 $0x0, s20;
	[sflag:s22] =	ssyncset.done $0x0  }
0xa0: {  	[sflag:s22] =	ssyncadd.s32 s4;
	_ =	sdelay $0x1  }
0xa1: {  	s23 =	simm.s32 $0x1B8B  }
0xa2: {  	_ =	swait.ge [sflag:s23], $0x1  }
0xa3: {  	[sflag:s23] =	ssyncset.done $0x0  }
0xa4: {  	s25 =	simm.s32 $0x1B8E;
	s24 =	sld [smem:$0x3FFE];
	[sflag:s23] =	ssyncadd.s32 $0xFFFFFFFF  }
0xa5: {  	s26 =	simm.s32 $execute0_lowered;
	[smem:$0x3FD2] =	sst s25  }
0xa6: {  	s5 =	sshll.u32 s26, $0x1;
	_ =	strace $0x80000046;
	[dreg:$0x1] =	wrdreg $0xFFFFFFFF  }
0xa7: {  	s28 =	simm.s32 $_size_execute0_lowered;
	s3 =	sadd.s32 s3, s5;
	[dreg:$0x0] =	wrdreg $0x0  }
0xa8: {  	s5 =	sshll.u32 s28, $0x1;
	[dreg:$0x2] =	wrdreg s3  }
0xa9: {  	[dreg:$0x3] =	wrdreg s5  }
0xaa: {  	[dreg:$0x4] =	wrdreg $0xC0  }
0xab: {  	_ =	task [dreg:s7], $0x5FFFF  }
0xac: {  	[dreg:$0x1] =	wrdreg $0xFFFFFFFF  }
0xad: {  	[dreg:$0x0] =	wrdreg $0x60  }
0xae: {  	[dreg:$0x2] =	wrdreg s24  }
0xaf: {  	[dreg:$0x3] =	wrdreg s2  }
0xb0: {  	[dreg:$0x4] =	wrdreg $0xC4000  }
0xb1: {  	[dreg:$0x5] =	wrdreg $0x9  }
0xb2: {  	_ =	task.clear_ibuf [dreg:s7], $0x6FFFF;
	_ =	strace $0x90000046  }
0xb3: {  	s29 =	simm.s32 $0x9;
	_ =	strace $0x80000048  }
0xb4: {  	_ =	swait.ge [sflag:s29], $0x1  }
0xb5: {  	[sflag:s29] =	ssyncadd.s32 $0xFFFFFFFF  }
0xb6: {  	_ =	strace $0x90000048  }
0xb7: {  	_ =	sfence  }
0xb8: {  	s30 =	sld [smem:$0x0];
	_ =	sdelay $0x2  }
0xb9: {  	s31 =	sshll.u32 s1, $0xD;
	s1 =	sshrl.u32 s1, $0x2  }
0xba: {  	s3 =	sand.u32 $0x4000, s31;
	s1 =	sadd.s32 s1, s30  }
0xbb: {  	s0 =	sor.u32 s3, s0;
	s1 =	sshll.u32 s1, $0x11  }
0xbc: {  	s0 =	sor.u32 s1, s0  }
0xbd: {  	s0 =	sadd.s32 $0x8F2B, s0  }
0xbe: {  	[sflag:s0] =	ssyncadd.remote.s32 $0x1  }
0xbf: {  	_ =	sfence.sel $0xFFFF  }
0xc0: {  	[dreg:$0x0] =	wrdreg $0xFFFFFFFF;
	(pc) =	sbr.abs _section_cstart, $3  }
0xc1: {  	[dreg:$0x1] =	wrdreg $0xFFFFFFFF  }
0xc2: {  	_ =	task.clear_ibuf [dreg:s7], $0x2FFFF;
	_ =	strace $0x9FFFFFFF  }
0xc3: {  	(tm) =	ssettm $0x7FFFFFFF  }
tec
execute0_lowered:
.L_overlay_start_1:
0x0: {  	(tag) =	ssettag $0x1  }
0x1: {  	s0 =	rddreg [dreg:$0x0]  }
0x2: {  	s19 =	rddreg [dreg:$0x1]  }
0x3: {  	s2 =	rddreg [dreg:$0x2]  }
0x4: {  	s1 =	srdreg.scid;
	s3 =	simm.s32 $0x0;
	s5 =	stileid.u32  }
0x5: {  	s28 =	simm.s32 $0x7;
	s29 =	simm.s32 $0x180;
	s30 =	simm.s32 $0x80  }
0x6: {  	s31 =	simm.s32 $0x200;
	s1 =	sand.u32 $0x1, s1;
	[smem:$0x7FF] =	sst s3  }
0x7: {  	s8 =	sadd.s32 $0xB200, s0;
	s7 =	smul.u32 $0x4E000, s5;
	s9 =	sadd.s32 $0x1400, s0  }
0x8: {  	s20 =	sadd.s32 $0x63A00, s0;
	s17 =	sshll.u32 s5, $0x6;
	s11 =	smul.u32 $0x4E20, s5  }
0x9: {  	s25 =	smul.u32 $0x9C4, s5;
	p0 =	sne.s32 s5, $0x0;
	p2 =	seq.s32 s5, $0x0  }
0xa: {  	s4 =	smul.u32 $0x27100, s1;
	_ =	strace $0x80000047;
	s10 =	ssub.s32 $0x2, s1  }
0xb: {  	p1 =	seq.s32 s1, $0x1;
	[dreg:$0x4] =	wrdreg s20;
	s16 =	sshrl.u32 s10, $0x1  }
0xc: {  	s7 =	sshrl.u32 s7, $0x2;
	s11 =	sshrl.u32 s11, $0x3;
	s6 =	sadd.s32 s4, s0  }
0xd: {  	s4 =	sadd.s32 $0x63200, s0;
	s18 =	sadd.s32 s7, s2;
	s0 =	ssub.s32 s10, s16  }
0xe: {  	s7 =	sor.u32 $0x1C07, s17;
	s14 =	sadd.s32 s8, s11;
	s21 =	sadd.s32 s9, s11  }
0xf: {  	s22 =	sadd.s32 $0x10, s11;
	s23 =	sadd.s32 $0x20, s11;
	[dreg:$0x6] =	wrdreg s14  }
0x10: {  	s11 =	sadd.s32 $0x9C0, s11;
	s16 =	sadd.s32 s25, s9;
	[dreg:$0x7] =	wrdreg s21  }
0x11: {  	s17 =	sadd.s32 s25, s8;
	s15 =	sadd.s32 s8, s22;
	[dreg:$0x5] =	wrdreg s18  }
0x12: {  	s10 =	sadd.s32 $0x4000, s18;
	s14 =	sadd.s32 s9, s22;
	[dreg:$0x8] =	wrdreg s15  }
0x13: {  	s12 =	sadd.s32 $0x8000, s18;
	s24 =	sadd.s32 s8, s23;
	[dreg:$0x9] =	wrdreg s14  }
0x14: {  	s13 =	sadd.s32 $0xC000, s18;
	s26 =	sadd.s32 s8, s11;
	[dreg:$0xa] =	wrdreg s24  }
0x15: {  	s11 =	sadd.s32 s9, s11;
	s21 =	sadd.s32 $0x10000, s18;
	[dreg:$0xc] =	wrdreg s26  }
0x16: {  	s18 =	sadd.s32 $0x15000, s6;
	s0 =	smax.u32 s0, $0x1;
	[dreg:$0xd] =	wrdreg s11  }
0x17: {  	s8 =	simm.s32 $0x4400;
	s14 =	sadd.s32 s9, s23;
	[dreg:$0x10] =	wrdreg s0  }
0x18: {  	s23 =	sshrl.u32 s10, $0x3;
	s24 =	sshrl.u32 s12, $0x3;
	s25 =	sshrl.u32 s13, $0x3  }
0x19: {  	s26 =	sshrl.u32 s21, $0x3;
	s0 =	simm.s32 $0x100;
	[dreg:$0xb] =	wrdreg s14  }
0x1a: {  	s9 =	simm.s32 $0x4;
	s10 =	simm.s32 $0x3;
	[dreg:$0x11] =	wrdreg s23  }
0x1b: {  	s11 =	simm.s32 $0x8400;
	s14 =	smul.u32 $0x2700, s5;
	[dreg:$0x12] =	wrdreg s24  }
.Ltmp0:
0x1c: {  	s13 =	simm.s32 $0x380;
	[dreg:$0x13] =	wrdreg s25;
	(pc) =	sbr.rel .LBB2_1-.Ltmp0, $4  }
0x1d: {  	s15 =	simm.s32 $0x0;
	[dreg:$0x14] =	wrdreg s26;
	s26 =	sadd.s32 $0x138000, s2  }
0x1e: {  	s5 =	simm.s32 $0x1;
	s22 =	sadd.s32 s19, s14;
	s1 =	sadd.s32 s20, s14  }
0x1f: {  	s19 =	simm.s32 $0x400;
	s20 =	simm.s32 $0x2;
	[dreg:$0xe] =	wrdreg s22  }
0x20: {  	s14 =	simm.s32 $0x20;
	[dreg:$0xf] =	wrdreg s1;
	s1 =	simm.s32 $0x280  }
.LBB2_7:
0x21: {  	s6 =	sadd.s32 $0x27000, s6;
	s12 =	sshrl.u32 s26, $0x3  }
0x22: {  	[hbm:s6], [sflag:s7] =	dma.local [spmem:s12], $0x100  }
0x23: {  	_ =	swait.ge [sflag:s28], $0x100  }
0x24: {  	[sflag:s28] =	ssyncset.done $0x0  }
0x25: {  	[sflag:s28] =	ssyncadd.s32 $0xFFFFFF00  }
.LBB2_8:
0x26: {  	s15 =	sadd.s32 $0x1, s15;
	s6 =	rddreg [dreg:$0x10]  }
0x27: {  	p3 =	sne.s32 s15, s6  }
.Ltmp1:
0x28: {  	_ = 	snop;
	(pc) =	sbr.rel @!p3 .LBB2_9-.Ltmp1, $1  }
0x29: {  	_ =	sdelay $0x3  }
.LBB2_1:
0x2a: {  	s6 =	rddreg [dreg:$0x5]  }
0x2b: {  	s6 =	sshrl.u32 s6, $0x3  }
0x2c: {  	[spmem:s6], [sflag:s7] =	dma.local [hbm:s4], $0x800  }
0x2d: {  	_ =	swait.ge [sflag:s28], $0x800  }
0x2e: {  	[sflag:s28] =	ssyncset.done $0x0  }
0x2f: {  	s12 =	rddreg [dreg:$0x11];
	[sflag:s28] =	ssyncadd.s32 $0xFFFFF800  }
0x30: {  	[spmem:s12], [sflag:s7] =	dma.local [hbm:s4], $0x800  }
0x31: {  	_ =	swait.ge [sflag:s28], $0x800  }
0x32: {  	[sflag:s28] =	ssyncset.done $0x0  }
0x33: {  	s22 =	rddreg [dreg:$0x12];
	[sflag:s28] =	ssyncadd.s32 $0xFFFFF800  }
0x34: {  	[spmem:s22], [sflag:s7] =	dma.local [hbm:s4], $0x800  }
0x35: {  	_ =	swait.ge [sflag:s28], $0x800  }
0x36: {  	[sflag:s28] =	ssyncset.done $0x0  }
0x37: {  	s23 =	rddreg [dreg:$0x13];
	[sflag:s28] =	ssyncadd.s32 $0xFFFFF800  }
0x38: {  	[spmem:s23], [sflag:s7] =	dma.local [hbm:s4], $0x800  }
0x39: {  	_ =	swait.ge [sflag:s28], $0x800  }
0x3a: {  	[sflag:s28] =	ssyncset.done $0x0  }
0x3b: {  	s24 =	rddreg [dreg:$0x14];
	[sflag:s28] =	ssyncadd.s32 $0xFFFFF800  }
0x3c: {  	[spmem:s24], [sflag:s7] =	dma.local [hbm:s4], $0x700  }
0x3d: {  	_ =	swait.ge [sflag:s28], $0x700  }
0x3e: {  	[sflag:s28] =	ssyncset.done $0x0  }
0x3f: {  	s21 =	sshrl.u32 @!p0 s26, $0x3;
	[sflag:s28] =	ssyncadd.s32 $0xFFFFF900  }
0x40: {  	[spmem:s21], [sflag:s7] =	dma.local @!p0 [hbm:s4], $0x100  }
0x41: {  	s21 =	simm.s32 @!p0 $0x7  }
0x42: {  	_ =	swait.ge @!p0 [sflag:s21], $0x100  }
0x43: {  	[sflag:s21] =	ssyncset.done @!p0 $0x0  }
0x44: {  	[sflag:s21] =	ssyncadd.s32 @!p0 $0xFFFFFF00  }
0x45: {  	[bflag:$0x0] =	sbarrier.arrive $0xFFFF  }
0x46: {  	s25 =	rddreg [dreg:$0x6]  }
0x47: {  	[tilespmem:s3], [sflag:$0x1] =	stream.linear.gather [hbm4b:s25+s3], $0x80, $0x38;
	[tilespmem:$0x1FC80] =	vst v63  }
0x48: {  	s21 =	rddreg [dreg:$0x7]  }
0x49: {  	[tilespmem:s29], [sflag:$0x1] =	stream.linear.gather [hbm4b:s21+s3], $0x80, $0x38;
	[tilespmem:$0x1FC80] =	vst v63  }
0x4a: {  	s22 =	rddreg [dreg:$0x8]  }
0x4b: {  	[tilespmem:s30], [sflag:$0x2] =	stream.linear.gather [hbm4b:s22+s3], $0x80, $0x38;
	[tilespmem:$0x1FC80] =	vst v63  }
0x4c: {  	s23 =	rddreg [dreg:$0x9]  }
0x4d: {  	[tilespmem:s31], [sflag:$0x2] =	stream.linear.gather [hbm4b:s23+s3], $0x80, $0x38;
	[tilespmem:$0x1FC80] =	vst v63  }
0x4e: {  	s24 =	rddreg [dreg:$0xa]  }
0x4f: {  	[tilespmem:s0], [sflag:$0x3] =	stream.linear.gather [hbm4b:s24+s3], $0x80, $0x38;
	[tilespmem:$0x1FC80] =	vst v63  }
0x50: {  	s25 =	rddreg [dreg:$0xb]  }
0x51: {  	[tilespmem:s1], [sflag:$0x3] =	stream.linear.gather [hbm4b:s25+s3], $0x80, $0x38;
	[tilespmem:$0x1FC80] =	vst v63  }
0x52: {  	_ =	swait.ge [sflag:s5], $0x80  }
0x53: {  	[sflag:s5] =	ssyncset.done $0x0  }
0x54: {  	[sflag:s5] =	ssyncadd.s32 $0xFFFFFF80  }
0x55: {  	_ =	swait.ge [sflag:s5], $0x80  }
0x56: {  	[sflag:s5] =	ssyncset.done $0x0  }
0x57: {  	[sflag:s5] =	ssyncadd.s32 $0xFFFFFF80  }
0x58: {  	[tilespmem:s19], [sflag:$0x4] =	stream.indirect.gather [hbm4b:s18+s30], $0x80, s3, s30, $0xb8;
	[tilespmem:$0x1FC80] =	vst v63  }
0x59: {  	_ =	swait.ge [sflag:s20], $0x80  }
0x5a: {  	[sflag:s20] =	ssyncset.done $0x0  }
0x5b: {  	[sflag:s20] =	ssyncadd.s32 $0xFFFFFF80  }
0x5c: {  	_ =	swait.ge [sflag:s20], $0x80  }
0x5d: {  	[sflag:s20] =	ssyncset.done $0x0  }
0x5e: {  	s21 =	simm.s32 $0x0;
	[sflag:s20] =	ssyncadd.s32 $0xFFFFFF80  }
0x5f: {  	[tilespmem:s8], [sflag:$0x5] =	stream.indirect.gather [hbm4b:s18+s30], $0x80, s30, s30, $0xb8;
	[tilespmem:$0x1FC80] =	vst v63  }
.LBB2_2:
0x60: {  	_ =	swait.ge [sflag:s9], $0x4000  }
0x61: {  	[sflag:s9] =	ssyncset.done $0x0  }
0x62: {  	[sflag:s9] =	ssyncadd.s32 $0xFFFFC000  }
0x63: {  	_ =	swait.ge [sflag:s10], $0x80  }
0x64: {  	[sflag:s10] =	ssyncset.done $0x0  }
0x65: {  	[sflag:s10] =	ssyncadd.s32 $0xFFFFFF80  }
0x66: {  	_ =	swait.ge [sflag:s10], $0x80  }
0x67: {  	[sflag:s10] =	ssyncset.done $0x0  }
0x68: {  	[sflag:s10] =	ssyncadd.s32 $0xFFFFFF80  }
0x69: {  	[tilespmem:s11], [sflag:$0x6] =	stream.indirect.gather [hbm4b:s18+s30], $0x80, s0, s30, $0xb8;
	[tilespmem:$0x1FC80] =	vst v63  }
0x6a: {  	_ = 	snop  }
0x6b: {  	[spmem:s2] =	stream.indirect.scatter.add.f32 [tilespmem:s19], [sflag:$0x7], $0x80, s29, s30, $0xb8;
	[tilespmem:$0x1FC80] =	vst v63  }
0x6c: {  	_ =	swait.ge [sflag:s28], $0x4000  }
0x6d: {  	p3 =	seq.s32 s21, $0x990;
	[sflag:s28] =	ssyncset.done $0x0  }
0x6e: {  	s22 =	simm.s32 @p3 $0x5;
	[sflag:s28] =	ssyncadd.s32 $0xFFFFC000  }
0x6f: {  	_ =	swait.ge @p3 [sflag:s22], $0x4000  }
0x70: {  	s23 =	sadd.s32 @!p3 s21, s17;
	[sflag:s22] =	ssyncset.done @p3 $0x0  }
0x71: {  	s24 =	simm.s32 @!p3 $0x0;
	[sflag:s22] =	ssyncadd.s32 @p3 $0xFFFFC000;
	s22 =	sadd.s32 @!p3 $0x30, s23  }
0x72: {  	[tilespmem:s24], [sflag:$0x1] =	stream.linear.gather @!p3 [hbm4b:s22+s24], $0x80, $0x38;
	[tilespmem:$0x1FC80] =	vst v63  }
0x73: {  	s22 =	sadd.s32 @!p3 s21, s16  }
0x74: {  	s12 =	simm.s32 @!p3 $0x180;
	s25 =	sadd.s32 @!p3 $0x30, s22  }
0x75: {  	[tilespmem:s12], [sflag:$0x1] =	stream.linear.gather @!p3 [hbm4b:s25+s24], $0x80, $0x38;
	[tilespmem:$0x1FC80] =	vst v63  }
0x76: {  	s12 =	simm.s32 @!p3 $0x5  }
0x77: {  	_ =	swait.ge @!p3 [sflag:s12], $0x4000  }
0x78: {  	[sflag:s12] =	ssyncset.done @!p3 $0x0  }
0x79: {  	[sflag:s12] =	ssyncadd.s32 @!p3 $0xFFFFC000;
	s12 =	simm.s32 @!p3 $0x1  }
0x7a: {  	_ =	swait.ge @!p3 [sflag:s12], $0x80  }
0x7b: {  	[sflag:s12] =	ssyncset.done @!p3 $0x0  }
0x7c: {  	[sflag:s12] =	ssyncadd.s32 @!p3 $0xFFFFFF80  }
0x7d: {  	_ =	swait.ge @!p3 [sflag:s12], $0x80  }
0x7e: {  	[sflag:s12] =	ssyncset.done @!p3 $0x0  }
0x7f: {  	s25 =	simm.s32 @!p3 $0x400;
	[sflag:s12] =	ssyncadd.s32 @!p3 $0xFFFFFF80;
	s12 =	simm.s32 @!p3 $0x80  }
0x80: {  	[tilespmem:s25], [sflag:$0x4] =	stream.indirect.gather @!p3 [hbm4b:s18+s12], $0x80, s24, s12, $0xb8;
	[tilespmem:$0x1FC80] =	vst v63  }
0x81: {  	_ = 	snop  }
0x82: {  	[spmem:s2] =	stream.indirect.scatter.add.f32 [tilespmem:s8], [sflag:$0x7], $0x80, s31, s30, $0xb8;
	[tilespmem:$0x1FC80] =	vst v63  }
0x83: {  	_ =	swait.ge [sflag:s28], $0x4000  }
0x84: {  	[sflag:s28] =	ssyncset.done $0x0  }
0x85: {  	s25 =	simm.s32 @p3 $0x6;
	[sflag:s28] =	ssyncadd.s32 $0xFFFFC000  }
0x86: {  	_ =	swait.ge @p3 [sflag:s25], $0x4000  }
0x87: {  	[sflag:s25] =	ssyncset.done @p3 $0x0  }
0x88: {  	s23 =	sadd.s32 @!p3 $0x40, s23;
	[sflag:s25] =	ssyncadd.s32 @p3 $0xFFFFC000  }
0x89: {  	[tilespmem:s12], [sflag:$0x2] =	stream.linear.gather @!p3 [hbm4b:s23+s24], $0x80, $0x38;
	[tilespmem:$0x1FC80] =	vst v63  }
0x8a: {  	s22 =	sadd.s32 @!p3 $0x40, s22;
	s23 =	simm.s32 @!p3 $0x200  }
0x8b: {  	[tilespmem:s23], [sflag:$0x2] =	stream.linear.gather @!p3 [hbm4b:s22+s24], $0x80, $0x38;
	[tilespmem:$0x1FC80] =	vst v63  }
0x8c: {  	s22 =	simm.s32 @!p3 $0x6  }
0x8d: {  	_ =	swait.ge @!p3 [sflag:s22], $0x4000  }
0x8e: {  	[sflag:s22] =	ssyncset.done @!p3 $0x0  }
0x8f: {  	[sflag:s22] =	ssyncadd.s32 @!p3 $0xFFFFC000;
	s22 =	simm.s32 @!p3 $0x2  }
0x90: {  	_ =	swait.ge @!p3 [sflag:s22], $0x80  }
0x91: {  	[sflag:s22] =	ssyncset.done @!p3 $0x0  }
0x92: {  	[sflag:s22] =	ssyncadd.s32 @!p3 $0xFFFFFF80  }
0x93: {  	_ =	swait.ge @!p3 [sflag:s22], $0x80  }
0x94: {  	[sflag:s22] =	ssyncset.done @!p3 $0x0  }
0x95: {  	[sflag:s22] =	ssyncadd.s32 @!p3 $0xFFFFFF80;
	s22 =	simm.s32 @!p3 $0x4400  }
0x96: {  	[tilespmem:s22], [sflag:$0x5] =	stream.indirect.gather @!p3 [hbm4b:s18+s12], $0x80, s12, s12, $0xb8;
	[tilespmem:$0x1FC80] =	vst v63  }
.Ltmp2:
0x97: {  	_ = 	snop;
	(pc) =	sbr.rel @p3 .LBB2_4-.Ltmp2, $4  }
0x98: {  	[spmem:s2] =	stream.indirect.scatter.add.f32 [tilespmem:s11], [sflag:$0x7], $0x80, s1, s30, $0xb8;
	[tilespmem:$0x1FC80] =	vst v63  }
0x99: {  	_ =	swait.ge [sflag:s28], $0x4000  }
0x9a: {  	[sflag:s28] =	ssyncset.done $0x0  }
0x9b: {  	[sflag:s28] =	ssyncadd.s32 $0xFFFFC000  }
.Ltmp3:
0x9c: {  	s12 =	sadd.s32 s21, s17;
	(pc) =	sbr.rel .LBB2_2-.Ltmp3, $4  }
0x9d: {  	s25 =	sadd.s32 s21, s16;
	s12 =	sadd.s32 $0x50, s12  }
0x9e: {  	[tilespmem:s0], [sflag:$0x3] =	stream.linear.gather [hbm4b:s12+s3], $0x80, $0x38;
	[tilespmem:$0x1FC80] =	vst v63  }
0x9f: {  	s21 =	sadd.s32 $0x30, s21;
	s12 =	sadd.s32 $0x50, s25  }
0xa0: {  	[tilespmem:s1], [sflag:$0x3] =	stream.linear.gather [hbm4b:s12+s3], $0x80, $0x38;
	[tilespmem:$0x1FC80] =	vst v63  }
.LBB2_4:
0xa1: {  	s12 =	rddreg [dreg:$0xc];
	s21 =	simm.s32 $0x300  }
0xa2: {  	[tilespmem:s21], [sflag:$0x7] =	stream.linear.gather [hbm4b:s12+s3], $0x20, $0x38;
	[tilespmem:$0x1FC80] =	vst v63  }
0xa3: {  	_ =	swait.ge [sflag:s28], $0x20  }
0xa4: {  	[sflag:s28] =	ssyncset.done $0x0  }
0xa5: {  	s25 =	rddreg [dreg:$0xd];
	[sflag:s28] =	ssyncadd.s32 $0xFFFFFFE0  }
0xa6: {  	[tilespmem:s13], [sflag:$0x7] =	stream.linear.gather [hbm4b:s25+s3], $0x20, $0x38;
	[tilespmem:$0x1FC80] =	vst v63  }
0xa7: {  	_ =	swait.ge [sflag:s28], $0x20  }
0xa8: {  	[sflag:s28] =	ssyncset.done $0x0  }
0xa9: {  	[sflag:s28] =	ssyncadd.s32 $0xFFFFFFE0  }
0xaa: {  	[tilespmem:s19], [sflag:$0x4] =	stream.indirect.gather [hbm4b:s18+s14], $0x80, s21, s14, $0xb8;
	[tilespmem:$0x1FC80] =	vst v63  }
0xab: {  	_ =	swait.ge [sflag:s9], $0x1000  }
0xac: {  	[sflag:s9] =	ssyncset.done $0x0  }
0xad: {  	[sflag:s9] =	ssyncadd.s32 $0xFFFFF000  }
0xae: {  	[spmem:s2] =	stream.indirect.scatter.add.f32 [tilespmem:s19], [sflag:$0x7], $0x80, s13, s14, $0xb8;
	[tilespmem:$0x1FC80] =	vst v63  }
.Ltmp4:
0xaf: {  	_ =	swait.ge [sflag:s28], $0x1000;
	(pc) =	sbr.rel @!p1 .LBB2_5-.Ltmp4, $3  }
0xb0: {  	[sflag:s28] =	ssyncset.done $0x0  }
0xb1: {  	[sflag:s28] =	ssyncadd.s32 $0xFFFFF000  }
0xb2: {  	[bflag:$0x0] =	sbarrier.arrive $0xFFFF;
	_ =	sdelay $0x1  }
0xb3: {  	s12 =	rddreg [dreg:$0xf]  }
0xb4: {  	[hbm:s12], [sflag:s7] =	dma.local [spmem:s6], $0x2700  }
.Ltmp5:
0xb5: {  	_ = 	snop;
	(pc) =	sbr.rel @p0 .LBB2_8-.Ltmp5, $4  }
.Ltmp6:
0xb6: {  	_ = 	snop;
	(pc) =	sbr.rel @!p0 .LBB2_7-.Ltmp6, $4  }
0xb7: {  	_ =	swait.ge [sflag:s28], $0x2700  }
0xb8: {  	[sflag:s28] =	ssyncset.done $0x0  }
0xb9: {  	s6 =	rddreg [dreg:$0x4];
	[sflag:s28] =	ssyncadd.s32 $0xFFFFD900  }
0xba: {  	_ = 	snop  }
.LBB2_5:
0xbb: {  	s12 =	rddreg [dreg:$0xe]  }
0xbc: {  	[hbm:s12], [sflag:s7] =	dma.local [spmem:s6], $0x2700  }
.Ltmp7:
0xbd: {  	_ = 	snop;
	(pc) =	sbr.rel @!p2 .LBB2_8-.Ltmp7, $4  }
.Ltmp8:
0xbe: {  	_ =	swait.ge [sflag:s28], $0x2700;
	(pc) =	sbr.rel @p2 .LBB2_7-.Ltmp8, $4  }
0xbf: {  	[sflag:s28] =	ssyncset.done $0x0  }
0xc0: {  	[sflag:s28] =	ssyncadd.s32 $0xFFFFD900  }
0xc1: {  	s6 =	rddreg [dreg:$0x1]  }
0xc2: {  	_ = 	snop  }
.LBB2_9:
0xc3: {  	_ =	sfence.sel $0x180000  }
0xc4: {  	[bflag:$0x0] =	sbarrier.arrive $0xFFFF  }
0xc5: {  	_ =	strace $0x90000047  }
0xc6: {  	[bflag:$0x2] =	sbarrier.arrive $0xFFFF  }
0xc7: {  	s0 =	rddreg [dreg:$0x3]  }
0xc8: {  	s0 =	sadd.s32 @!p0 $0x100000, s0  }
0xc9: {  	[sflag:s0] =	ssyncadd.tile.s32 @!p0 $0x1;
	_ =	shalt  }
.Lfunc_end2:
_tile_overlayer_lowered:
.L_overlay_start_2:
0xca: {  	(tag) =	ssettag $0x2  }
0xcb: {  	s0 =	rddreg [dreg:$0x0];
	s2 =	stileid.u32  }
0xcc: {  	s1 =	rddreg [dreg:$0x1];
	p0 =	sne.s32 s2, $0x0  }
0xcd: {  	s3 =	rddreg [dreg:$0x2];
	[bflag:$0x3] =	sbarrier.arrive $0xFFFF;
	s2 =	simm.s32 @!p0 $0x1C07  }
0xce: {  	[timem:s3], [sflag:s2] =	dma.local @!p0 [hbm:s0], s1  }
0xcf: {  	s0 =	simm.s32 @!p0 $0x7  }
0xd0: {  	_ =	swait.ge @!p0 [sflag:s0], s1  }
0xd1: {  	s1 =	ssub.s32 @!p0 $0x0, s1;
	[sflag:s0] =	ssyncset.done @!p0 $0x0  }
0xd2: {  	[sflag:s0] =	ssyncadd.s32 @!p0 s1  }
0xd3: {  	[bflag:$0x3] =	sbarrier.arrive $0xFFFF  }
0xd4: {  	_ =	shalt  }

</sc_bundles>
